<compile_context>
chip_gen: v7x
topology: tpu7x:2x2x1
jax: 0.10.2.dev20260603
libtpu: 0.0.44.dev20260713+nightly
codegen_flags: <defaults>
</compile_context>

<pallas_src>
import jax
import jax.numpy as jnp
from jax import lax
from jax.experimental import pallas as pl
from jax.experimental.pallas import tpu as pltpu
from jax.experimental.pallas import tpu_sc as plsc

W_LOSS = 1.0
W_INEQ = 1.0
MARGIN_EQ = 0.1
MARGIN_INEQ = 0.25

NC = 2
NS = 16
L = 16

ROWS = 512
COLS = 512
NJ = 20000
HALF = NJ // 2
CHUNK = 128
NROW = 80
PAD = NROW * CHUNK
GROUP = 8
NGROUP = NROW // GROUP


def _body(pred_hbm, eq_hbm, ineq_hbm, flip_hbm, out_hbm,
          mat_v, idx1_v, idx2_v, vals1_v, vals2_v, w_v, flip_v, out_v, sem):
    c = lax.axis_index("c")
    s = lax.axis_index("s")
    wid = s * NC + c
    img = s // 2
    is_ineq = s % 2

    pix_base = (img * 3 + 2) * (ROWS * COLS)

    pltpu.sync_copy(flip_hbm, flip_v)

    mat_off = pl.multiple_of(img * (NJ * 5) + c * (HALF * 5), 8)

    @pl.when(is_ineq == 0)
    def _():
        pltpu.sync_copy(eq_hbm.at[pl.ds(mat_off, HALF * 5)], mat_v)

    @pl.when(is_ineq == 1)
    def _():
        pltpu.sync_copy(ineq_hbm.at[pl.ds(mat_off, HALF * 5)], mat_v)

    lanes = jnp.arange(L, dtype=jnp.int32)
    zi = jnp.zeros((L,), jnp.int32)
    zf = jnp.zeros((L,), jnp.float32)
    flipb = plsc.load_gather(flip_v, [zi + img]) != 0

    def zero_pad(k, _):
        off = pl.multiple_of(HALF + k * L, 8)
        idx1_v[pl.ds(off, L)] = zi
        idx2_v[pl.ds(off, L)] = zi
        w_v[pl.ds(off, L)] = zf
        return 0

    lax.fori_loop(0, (PAD - HALF) // L, zero_pad, 0)

    col_idx = lanes * 5

    def mk_idx(yf, xf):
        y = (yf * float(ROWS)).astype(jnp.int32)
        y = jnp.minimum(jnp.maximum(y, 0), ROWS - 1)
        x = (xf * float(COLS)).astype(jnp.int32)
        x = jnp.minimum(jnp.maximum(x, 0), COLS - 1)
        x = jnp.where(flipb, (COLS - 1) - x, x)
        return pix_base + y * COLS + x

    def idx_body(i, _):
        base = i * (L * 5)
        ci = col_idx + base
        y1f = plsc.load_gather(mat_v, [ci])
        x1f = plsc.load_gather(mat_v, [ci + 1])
        y2f = plsc.load_gather(mat_v, [ci + 2])
        x2f = plsc.load_gather(mat_v, [ci + 3])
        w = plsc.load_gather(mat_v, [ci + 4])
        off = pl.multiple_of(i * L, 8)
        idx1_v[pl.ds(off, L)] = mk_idx(y1f, x1f)
        idx2_v[pl.ds(off, L)] = mk_idx(y2f, x2f)
        w_v[pl.ds(off, L)] = w
        return 0

    lax.fori_loop(0, HALF // L, idx_body, 0)

    def gather_group(g, _):
        cps = []
        for r in range(GROUP):
            off = pl.multiple_of((g * GROUP + r) * CHUNK, 8)
            cps.append(pltpu.async_copy(
                pred_hbm.at[idx1_v.at[pl.ds(off, CHUNK)]],
                vals1_v.at[pl.ds(off, CHUNK)], sem))
            cps.append(pltpu.async_copy(
                pred_hbm.at[idx2_v.at[pl.ds(off, CHUNK)]],
                vals2_v.at[pl.ds(off, CHUNK)], sem))
        for cp in cps:
            cp.wait()
        return 0

    lax.fori_loop(0, NGROUP, gather_group, 0)

    iv = (zi + is_ineq) != 0

    def acc_body(i, carry):
        acc, accw = carry
        off = pl.multiple_of(i * L, 8)
        v1 = vals1_v[pl.ds(off, L)]
        v2 = vals2_v[pl.ds(off, L)]
        w = w_v[pl.ds(off, L)]
        d = v1 - v2
        eq_t = jnp.maximum(jnp.abs(d) - MARGIN_EQ, 0.0)
        ineq_t = jnp.maximum(MARGIN_INEQ - d, 0.0)
        t = jnp.where(iv, ineq_t, eq_t) * w
        return acc + t, accw + w

    acc, accw = lax.fori_loop(0, PAD // L, acc_body, (zf, zf))
    num = jnp.sum(acc)
    den = jnp.sum(accw)

    out_v[...] = jnp.where(lanes == 0, num, jnp.where(lanes == 1, den, 0.0))
    pltpu.sync_copy(out_v, out_hbm.at[wid])


_SCRATCH = [
    pltpu.VMEM((HALF * 5,), jnp.float32),
    pltpu.VMEM((PAD,), jnp.int32),
    pltpu.VMEM((PAD,), jnp.int32),
    pltpu.VMEM((PAD,), jnp.float32),
    pltpu.VMEM((PAD,), jnp.float32),
    pltpu.VMEM((PAD,), jnp.float32),
    pltpu.VMEM((L,), jnp.int32),
    pltpu.VMEM((L,), jnp.float32),
    pltpu.SemaphoreType.DMA,
]


def _partials(pred_flat, eq_flat, ineq_flat, flip16):
    mesh = plsc.VectorSubcoreMesh(
        core_axis_name="c", subcore_axis_name="s", num_cores=NC,
        num_subcores=NS)
    f = pl.kernel(
        _body,
        out_type=jax.ShapeDtypeStruct((NC * NS, L), jnp.float32),
        mesh=mesh,
        scratch_types=_SCRATCH,
        compiler_params=pltpu.CompilerParams(needs_layout_passes=False),
    )
    return f(pred_flat, eq_flat, ineq_flat, flip16)


@jax.jit
def kernel(pred_rgI, eq_mat, ineq_mat, random_flip):
    n_img = pred_rgI.shape[0]
    pred_flat = pred_rgI.reshape(-1)
    eq_flat = eq_mat.reshape(-1)
    ineq_flat = ineq_mat.reshape(-1)
    flip16 = jnp.pad(random_flip.astype(jnp.int32), (0, 16 - n_img))

    parts = _partials(pred_flat, eq_flat, ineq_flat, flip16)

    num = parts[:, 0].reshape(n_img, 2, 2).sum(-1)
    den = parts[:, 1].reshape(n_img, 2, 2).sum(-1)
    per = num / jnp.maximum(den, 1e-6)
    per_img = (per[:, 0] + W_INEQ * per[:, 1]) / (1.0 + W_INEQ)
    return per_img.mean() * W_LOSS

# --- scband reference (transcript-rebuilt; emitter-appended) ---
"""Pipeline reference for scband-iiwcriterion-rg-i-57664230916695 (READ-ONLY COPY).

The authoritative reference and input builder live on the scoring server;
editing this copy changes nothing except your own understanding.
"""

import jax, jax.numpy as jnp
import numpy as np

W_LOSS = 1.0
W_INEQ = 1.0
MARGIN_EQ = 0.1
MARGIN_INEQ = 0.25


def setup_inputs(seed: int = 0) -> dict:
    key = jax.random.key(seed)
    k1, k2, k3 = jax.random.split(key, 3)
    pred_rgI = jax.random.normal(k1, (8, 3, 512, 512), dtype=jnp.float32)
    eq_mat = jax.random.uniform(k2, (8, 20000, 5), dtype=jnp.float32)
    ineq_mat = jax.random.uniform(k3, (8, 20000, 5), dtype=jnp.float32)
    random_flip = jnp.zeros((8,), dtype=bool)
    return {"pred_rgI": pred_rgI, "eq_mat": eq_mat, "ineq_mat": ineq_mat, "random_flip": random_flip}


def _point_indices(j, rows, cols, flip):
    y_1 = jnp.clip(jnp.floor(j[:, 0] * rows).astype(jnp.int32), 0, rows - 1)
    y_2 = jnp.clip(jnp.floor(j[:, 2] * rows).astype(jnp.int32), 0, rows - 1)
    x_1f = jnp.clip(jnp.floor(j[:, 1] * cols).astype(jnp.int32), 0, cols - 1)
    x_2f = jnp.clip(jnp.floor(j[:, 3] * cols).astype(jnp.int32), 0, cols - 1)
    x_1 = jnp.where(flip, cols - 1 - x_1f, x_1f)
    x_2 = jnp.where(flip, cols - 1 - x_2f, x_2f)
    return y_1 * cols + x_1, y_2 * cols + x_2


def _batch_ranking_loss(intensity, judgements_eq, judgements_ineq, random_flip):
    num_channel, rows, cols = intensity.shape
    R_vec = intensity.reshape(num_channel, -1)
    # equality term
    i1, i2 = _point_indices(judgements_eq, rows, cols, random_flip)
    points_1 = jnp.take(R_vec, i1, axis=1)
    points_2 = jnp.take(R_vec, i2, axis=1)
    w_eq = judgements_eq[:, 4]
    eq_loss = jax.nn.relu(jnp.abs(points_1 - points_2).mean(axis=0) - MARGIN_EQ) * w_eq
    eq_loss = eq_loss.sum() / jnp.maximum(w_eq.sum(), 1e-06)
    # inequality term
    R_intensity = jnp.mean(intensity, axis=0)
    R_vec_mean = R_intensity.reshape(1, -1)
    j1, j2 = _point_indices(judgements_ineq, rows, cols, random_flip)
    q1 = jnp.take(R_vec_mean, j1, axis=1)[0]
    q2 = jnp.take(R_vec_mean, j2, axis=1)[0]
    w_ineq = judgements_ineq[:, 4]
    ineq_loss = jax.nn.relu(q2 - q1 + MARGIN_INEQ) * w_ineq
    ineq_loss = ineq_loss.sum() / jnp.maximum(w_ineq.sum(), 1e-06)
    return (eq_loss + W_INEQ * ineq_loss) / (1.0 + W_INEQ)


def reference(pred_rgI, eq_mat, ineq_mat, random_flip):
    num_imgs = pred_rgI.shape[0]
    total_loss = jnp.float32(0.0)
    for i in range(num_imgs):
        intensity = pred_rgI[i, 2:3, :, :]
        total_loss = total_loss + _batch_ranking_loss(intensity, eq_mat[i], ineq_mat[i], random_flip[i])
    total_loss = total_loss / num_imgs
    return total_loss * W_LOSS

if __name__ == "__main__":
    import jax
    _d = setup_inputs()
    print(jax.jit(kernel)(*tuple(_d.values())))

</pallas_src>

<mosaic_0001>
#map = affine_map<(d0, d1) -> (0)>
#map1 = affine_map<(d0, d1) -> (0, 0)>
module attributes {stable_mosaic.version = 14 : i64} {
  func.func @_body(%arg0: i32, %arg1: i32, %arg2: memref<6291456xf32, #tpu.memory_space<hbm>>, %arg3: memref<800000xf32, #tpu.memory_space<hbm>>, %arg4: memref<800000xf32, #tpu.memory_space<hbm>>, %arg5: memref<16xi32, #tpu.memory_space<hbm>>, %arg6: memref<32x16xf32, #tpu.memory_space<hbm>>, %arg7: memref<50000xf32, #tpu.memory_space<vmem>>, %arg8: memref<10240xi32, #tpu.memory_space<vmem>>, %arg9: memref<10240xi32, #tpu.memory_space<vmem>>, %arg10: memref<10240xf32, #tpu.memory_space<vmem>>, %arg11: memref<10240xf32, #tpu.memory_space<vmem>>, %arg12: memref<10240xf32, #tpu.memory_space<vmem>>, %arg13: memref<16xi32, #tpu.memory_space<vmem>>, %arg14: memref<16xf32, #tpu.memory_space<vmem>>, %arg15: memref<!tpu.dma_semaphore, #tpu.memory_space<semaphore_mem>>) attributes {dimension_semantics = [#tpu.dimension_semantics<core_parallel>, #tpu.dimension_semantics<subcore_parallel>], iteration_bounds = array<i64: 2, 16>, scalar_prefetch = 0 : i64, scratch_operands = 9 : i64, tpu.core_type = #tpu.core_type<sc_vector_subcore>, window_params = [{transform_indices = #map}, {transform_indices = #map}, {transform_indices = #map}, {transform_indices = #map}, {transform_indices = #map1}]} {
    %mul3A = arith.constant 2 : i32
    %mul3A_0 = arith.muli %arg1, %mul3A : i32
    %add3A = arith.addi %mul3A_0, %arg0 : i32
    %jit3A = arith.constant 2 : i32
    %div3A = arith.divsi %arg1, %jit3A : i32
    %sign3A = arith.constant 0 : i32
    %sign3A_1 = arith.cmpi sgt, %arg1, %sign3A : i32
    %sign3A_2 = arith.extui %sign3A_1 : i1 to i32
    %sign3A_3 = arith.constant 0 : i32
    %sign3A_4 = arith.cmpi slt, %arg1, %sign3A_3 : i32
    %sign3A_5 = arith.extui %sign3A_4 : i1 to i32
    %sign3A_6 = arith.subi %sign3A_2, %sign3A_5 : i32
    %sign3A_7 = arith.constant 0 : i32
    %sign3A_8 = arith.cmpi sgt, %jit3A, %sign3A_7 : i32
    %sign3A_9 = arith.extui %sign3A_8 : i1 to i32
    %sign3A_10 = arith.constant 0 : i32
    %sign3A_11 = arith.cmpi slt, %jit3A, %sign3A_10 : i32
    %sign3A_12 = arith.extui %sign3A_11 : i1 to i32
    %sign3A_13 = arith.subi %sign3A_9, %sign3A_12 : i32
    %ne3A = arith.cmpi ne, %sign3A_6, %sign3A_13 : i32
    %rem3A = arith.remsi %arg1, %jit3A : i32
    %ne3A_14 = arith.constant 0 : i32
    %ne3A_15 = arith.cmpi ne, %rem3A, %ne3A_14 : i32
    %and3A = arith.andi %ne3A, %ne3A_15 : i1
    %sub3A = arith.constant 1 : i32
    %sub3A_16 = arith.subi %div3A, %sub3A : i32
    %select_n3A = arith.select %and3A, %sub3A_16, %div3A : i32
    %jit3A_17 = arith.constant 2 : i32
    %eq3A = arith.constant 0 : i32
    %eq3A_18 = arith.cmpi eq, %jit3A_17, %eq3A : i32
    %jit3A_19 = arith.constant 1 : i32
    %select_n3A_20 = arith.select %eq3A_18, %jit3A_19, %jit3A_17 : i32
    %rem3A_21 = arith.remsi %arg1, %select_n3A_20 : i32
    %ne3A_22 = arith.constant 0 : i32
    %ne3A_23 = arith.cmpi ne, %rem3A_21, %ne3A_22 : i32
    %lt3A = arith.constant 0 : i32
    %lt3A_24 = arith.cmpi slt, %rem3A_21, %lt3A : i32
    %lt3A_25 = arith.constant 0 : i32
    %lt3A_26 = arith.cmpi slt, %select_n3A_20, %lt3A_25 : i32
    %ne3A_27 = arith.xori %lt3A_24, %lt3A_26 : i1
    %and3A_28 = arith.andi %ne3A_27, %ne3A_23 : i1
    %add3A_29 = arith.addi %rem3A_21, %select_n3A_20 : i32
    %select_n3A_30 = arith.select %and3A_28, %add3A_29, %rem3A_21 : i32
    %mul3A_31 = arith.constant 3 : i32
    %mul3A_32 = arith.muli %select_n3A, %mul3A_31 : i32
    %add3A_33 = arith.constant 2 : i32
    %add3A_34 = arith.addi %mul3A_32, %add3A_33 : i32
    %mul3A_35 = arith.constant 262144 : i32
    %mul3A_36 = arith.muli %add3A_34, %mul3A_35 : i32
    "tpu.region"() ({
      %run_scoped3A = tpu.sem_alloc : memref<!tpu.dma_semaphore, #tpu.memory_space<semaphore_mem>>
      tpu.enqueue_dma source(%arg5 : memref<16xi32, #tpu.memory_space<hbm>>) target(%arg13 : memref<16xi32, #tpu.memory_space<vmem>>) target_semaphore(%run_scoped3A : memref<!tpu.dma_semaphore, #tpu.memory_space<semaphore_mem>>)
      tpu.wait_dma2 semaphore(%run_scoped3A : memref<!tpu.dma_semaphore, #tpu.memory_space<semaphore_mem>>) src(%arg5 : memref<16xi32, #tpu.memory_space<hbm>>) dst(%arg13 : memref<16xi32, #tpu.memory_space<vmem>>)
      tpu.yield
    }) : () -> ()
    %mul3A_37 = arith.constant 100000 : i32
    %mul3A_38 = arith.muli %select_n3A, %mul3A_37 : i32
    %mul3A_39 = arith.constant 50000 : i32
    %mul3A_40 = arith.muli %arg0, %mul3A_39 : i32
    %add3A_41 = arith.addi %mul3A_38, %mul3A_40 : i32
    %multiple_of3A = tpu.assume_multiple %add3A_41, 8 : i32
    %eq3A_42 = arith.constant 0 : i32
    %eq3A_43 = arith.cmpi eq, %select_n3A_30, %eq3A_42 : i32
    %convert_element_type3A = arith.extui %eq3A_43 : i1 to i32
    %cond3A = arith.constant 0 : i32
    %cond3A_44 = arith.cmpi ne, %convert_element_type3A, %cond3A : i32
    scf.if %cond3A_44 {
      "tpu.region"() ({
        %run_scoped3A = tpu.sem_alloc : memref<!tpu.dma_semaphore, #tpu.memory_space<semaphore_mem>>
        %dma_start3A = tpu.memref_slice %arg3[%multiple_of3A] : memref<800000xf32, #tpu.memory_space<hbm>> -> memref<50000xf32, #tpu.memory_space<hbm>>
        %dma_start3A_112 = tpu.memref_slice %arg3[%multiple_of3A] : memref<800000xf32, #tpu.memory_space<hbm>> -> memref<50000xf32, #tpu.memory_space<hbm>>
        tpu.enqueue_dma source(%dma_start3A_112 : memref<50000xf32, #tpu.memory_space<hbm>>) target(%arg7 : memref<50000xf32, #tpu.memory_space<vmem>>) target_semaphore(%run_scoped3A : memref<!tpu.dma_semaphore, #tpu.memory_space<semaphore_mem>>)
        %dma_wait3A = tpu.memref_slice %arg3[%multiple_of3A] : memref<800000xf32, #tpu.memory_space<hbm>> -> memref<50000xf32, #tpu.memory_space<hbm>>
        %dma_wait3A_113 = tpu.memref_slice %arg3[%multiple_of3A] : memref<800000xf32, #tpu.memory_space<hbm>> -> memref<50000xf32, #tpu.memory_space<hbm>>
        tpu.wait_dma2 semaphore(%run_scoped3A : memref<!tpu.dma_semaphore, #tpu.memory_space<semaphore_mem>>) src(%dma_wait3A_113 : memref<50000xf32, #tpu.memory_space<hbm>>) dst(%arg7 : memref<50000xf32, #tpu.memory_space<vmem>>)
        tpu.yield
      }) : () -> ()
    } else {
    }
    %eq3A_45 = arith.constant 1 : i32
    %eq3A_46 = arith.cmpi eq, %select_n3A_30, %eq3A_45 : i32
    %convert_element_type3A_47 = arith.extui %eq3A_46 : i1 to i32
    %cond3A_48 = arith.constant 0 : i32
    %cond3A_49 = arith.cmpi ne, %convert_element_type3A_47, %cond3A_48 : i32
    scf.if %cond3A_49 {
      "tpu.region"() ({
        %run_scoped3A = tpu.sem_alloc : memref<!tpu.dma_semaphore, #tpu.memory_space<semaphore_mem>>
        %dma_start3A = tpu.memref_slice %arg4[%multiple_of3A] : memref<800000xf32, #tpu.memory_space<hbm>> -> memref<50000xf32, #tpu.memory_space<hbm>>
        %dma_start3A_112 = tpu.memref_slice %arg4[%multiple_of3A] : memref<800000xf32, #tpu.memory_space<hbm>> -> memref<50000xf32, #tpu.memory_space<hbm>>
        tpu.enqueue_dma source(%dma_start3A_112 : memref<50000xf32, #tpu.memory_space<hbm>>) target(%arg7 : memref<50000xf32, #tpu.memory_space<vmem>>) target_semaphore(%run_scoped3A : memref<!tpu.dma_semaphore, #tpu.memory_space<semaphore_mem>>)
        %dma_wait3A = tpu.memref_slice %arg4[%multiple_of3A] : memref<800000xf32, #tpu.memory_space<hbm>> -> memref<50000xf32, #tpu.memory_space<hbm>>
        %dma_wait3A_113 = tpu.memref_slice %arg4[%multiple_of3A] : memref<800000xf32, #tpu.memory_space<hbm>> -> memref<50000xf32, #tpu.memory_space<hbm>>
        tpu.wait_dma2 semaphore(%run_scoped3A : memref<!tpu.dma_semaphore, #tpu.memory_space<semaphore_mem>>) src(%dma_wait3A_113 : memref<50000xf32, #tpu.memory_space<hbm>>) dst(%arg7 : memref<50000xf32, #tpu.memory_space<vmem>>)
        tpu.yield
      }) : () -> ()
    } else {
    }
    %iota3A = tpu.iota {dimensions = array<i32: 0>} : vector<16xi32>
    %broadcast_in_dim3A = arith.constant 0 : i32
    %broadcast_in_dim3A_50 = vector.broadcast %broadcast_in_dim3A : i32 to vector<16xi32>
    %broadcast_in_dim3A_51 = arith.constant 0.000000e+00 : f32
    %broadcast_in_dim3A_52 = vector.broadcast %broadcast_in_dim3A_51 : f32 to vector<16xf32>
    %add3A_53 = vector.broadcast %select_n3A : i32 to vector<16xi32>
    %add3A_54 = arith.addi %broadcast_in_dim3A_50, %add3A_53 : vector<16xi32>
    %gather3A = tpu.vector_load_idx %arg13[%add3A_54] : memref<16xi32, #tpu.memory_space<vmem>>[vector<16xi32>], vector<16xi32>,
    %ne3A_55 = arith.constant 0 : i32
    %ne3A_56 = vector.broadcast %ne3A_55 : i32 to vector<16xi32>
    %ne3A_57 = arith.cmpi ne, %gather3A, %ne3A_56 : vector<16xi32>
    %scan3A = arith.constant 0 : i32
    %scan3A_58 = arith.constant 0 : i32
    %scan3A_59 = arith.constant 15 : i32
    %scan3A_60 = arith.addi %scan3A_58, %scan3A_59 : i32
    %scan3A_61 = arith.constant 1 : i32
    %scan3A_62 = scf.for %scan3A_112 = %scan3A_58 to %scan3A_60 step %scan3A_61 iter_args(%scan3A_113 = %scan3A) -> (i32)  : i32 {
      %mul3A_114 = arith.constant 16 : i32
      %mul3A_115 = arith.muli %scan3A_112, %mul3A_114 : i32
      %add3A_116 = arith.constant 10000 : i32
      %add3A_117 = arith.addi %add3A_116, %mul3A_115 : i32
      %multiple_of3A_118 = tpu.assume_multiple %add3A_117, 8 : i32
      %swap3A_119 = arith.index_cast %multiple_of3A_118 : i32 to index
      %swap3A_120 = tpu.vector_load %arg8[%swap3A_119] {strides = array<i32>} : memref<10240xi32, #tpu.memory_space<vmem>>, vector<16xi32>,
      tpu.vector_store %arg8[%swap3A_119], %broadcast_in_dim3A_50 {strides = array<i32>} : memref<10240xi32, #tpu.memory_space<vmem>>, vector<16xi32>,
      %swap3A_121 = arith.index_cast %multiple_of3A_118 : i32 to index
      %swap3A_122 = tpu.vector_load %arg9[%swap3A_121] {strides = array<i32>} : memref<10240xi32, #tpu.memory_space<vmem>>, vector<16xi32>,
      tpu.vector_store %arg9[%swap3A_121], %broadcast_in_dim3A_50 {strides = array<i32>} : memref<10240xi32, #tpu.memory_space<vmem>>, vector<16xi32>,
      %swap3A_123 = arith.index_cast %multiple_of3A_118 : i32 to index
      %swap3A_124 = tpu.vector_load %arg12[%swap3A_123] {strides = array<i32>} : memref<10240xf32, #tpu.memory_space<vmem>>, vector<16xf32>,
      tpu.vector_store %arg12[%swap3A_123], %broadcast_in_dim3A_52 {strides = array<i32>} : memref<10240xf32, #tpu.memory_space<vmem>>, vector<16xf32>,
      %scan3A_125 = arith.constant 0 : i32
      scf.yield %scan3A_125 : i32
    }
    %scan3A_63 = arith.constant 15 : i32
    %mul3A_64 = arith.constant 5 : i32
    %mul3A_65 = vector.broadcast %mul3A_64 : i32 to vector<16xi32>
    %mul3A_66 = arith.muli %iota3A, %mul3A_65 : vector<16xi32>
    %scan3A_67 = arith.constant 0 : i32
    %scan3A_68 = arith.constant 0 : i32
    %scan3A_69 = arith.constant 625 : i32
    %scan3A_70 = arith.addi %scan3A_68, %scan3A_69 : i32
    %scan3A_71 = arith.constant 1 : i32
    %scan3A_72 = scf.for %scan3A_112 = %scan3A_68 to %scan3A_70 step %scan3A_71 iter_args(%scan3A_113 = %scan3A_67) -> (i32)  : i32 {
      %mul3A_114 = arith.constant 80 : i32
      %mul3A_115 = arith.muli %scan3A_112, %mul3A_114 : i32
      %add3A_116 = vector.broadcast %mul3A_115 : i32 to vector<16xi32>
      %add3A_117 = arith.addi %mul3A_66, %add3A_116 : vector<16xi32>
      %gather3A_118 = tpu.vector_load_idx %arg7[%add3A_117] : memref<50000xf32, #tpu.memory_space<vmem>>[vector<16xi32>], vector<16xf32>,
      %add3A_119 = arith.constant 1 : i32
      %add3A_120 = vector.broadcast %add3A_119 : i32 to vector<16xi32>
      %add3A_121 = arith.addi %add3A_117, %add3A_120 : vector<16xi32>
      %gather3A_122 = tpu.vector_load_idx %arg7[%add3A_121] : memref<50000xf32, #tpu.memory_space<vmem>>[vector<16xi32>], vector<16xf32>,
      %add3A_123 = arith.constant 2 : i32
      %add3A_124 = vector.broadcast %add3A_123 : i32 to vector<16xi32>
      %add3A_125 = arith.addi %add3A_117, %add3A_124 : vector<16xi32>
      %gather3A_126 = tpu.vector_load_idx %arg7[%add3A_125] : memref<50000xf32, #tpu.memory_space<vmem>>[vector<16xi32>], vector<16xf32>,
      %add3A_127 = arith.constant 3 : i32
      %add3A_128 = vector.broadcast %add3A_127 : i32 to vector<16xi32>
      %add3A_129 = arith.addi %add3A_117, %add3A_128 : vector<16xi32>
      %gather3A_130 = tpu.vector_load_idx %arg7[%add3A_129] : memref<50000xf32, #tpu.memory_space<vmem>>[vector<16xi32>], vector<16xf32>,
      %add3A_131 = arith.constant 4 : i32
      %add3A_132 = vector.broadcast %add3A_131 : i32 to vector<16xi32>
      %add3A_133 = arith.addi %add3A_117, %add3A_132 : vector<16xi32>
      %gather3A_134 = tpu.vector_load_idx %arg7[%add3A_133] : memref<50000xf32, #tpu.memory_space<vmem>>[vector<16xi32>], vector<16xf32>,
      %mul3A_135 = arith.constant 16 : i32
      %mul3A_136 = arith.muli %scan3A_112, %mul3A_135 : i32
      %multiple_of3A_137 = tpu.assume_multiple %mul3A_136, 8 : i32
      %mul3A_138 = arith.constant 5.120000e+02 : f32
      %mul3A_139 = vector.broadcast %mul3A_138 : f32 to vector<16xf32>
      %mul3A_140 = arith.mulf %gather3A_118, %mul3A_139 : vector<16xf32>
      %convert_element_type3A_141 = arith.fptosi %mul3A_140 : vector<16xf32> to vector<16xi32>
      %max3A = arith.constant 0 : i32
      %max3A_142 = vector.broadcast %max3A : i32 to vector<16xi32>
      %max3A_143 = arith.maxsi %convert_element_type3A_141, %max3A_142 : vector<16xi32>
      %min3A = arith.constant 511 : i32
      %min3A_144 = vector.broadcast %min3A : i32 to vector<16xi32>
      %min3A_145 = arith.minsi %max3A_143, %min3A_144 : vector<16xi32>
      %mul3A_146 = arith.constant 5.120000e+02 : f32
      %mul3A_147 = vector.broadcast %mul3A_146 : f32 to vector<16xf32>
      %mul3A_148 = arith.mulf %gather3A_122, %mul3A_147 : vector<16xf32>
      %convert_element_type3A_149 = arith.fptosi %mul3A_148 : vector<16xf32> to vector<16xi32>
      %max3A_150 = arith.constant 0 : i32
      %max3A_151 = vector.broadcast %max3A_150 : i32 to vector<16xi32>
      %max3A_152 = arith.maxsi %convert_element_type3A_149, %max3A_151 : vector<16xi32>
      %min3A_153 = arith.constant 511 : i32
      %min3A_154 = vector.broadcast %min3A_153 : i32 to vector<16xi32>
      %min3A_155 = arith.minsi %max3A_152, %min3A_154 : vector<16xi32>
      %sub3A_156 = arith.constant 511 : i32
      %sub3A_157 = vector.broadcast %sub3A_156 : i32 to vector<16xi32>
      %sub3A_158 = arith.subi %sub3A_157, %min3A_155 : vector<16xi32>
      %select_n3A_159 = arith.select %ne3A_57, %sub3A_158, %min3A_155 : vector<16xi1>, vector<16xi32>
      %mul3A_160 = arith.constant 512 : i32
      %mul3A_161 = vector.broadcast %mul3A_160 : i32 to vector<16xi32>
      %mul3A_162 = arith.muli %min3A_145, %mul3A_161 : vector<16xi32>
      %add3A_163 = vector.broadcast %mul3A_36 : i32 to vector<16xi32>
      %add3A_164 = arith.addi %add3A_163, %mul3A_162 : vector<16xi32>
      %add3A_165 = arith.addi %add3A_164, %select_n3A_159 : vector<16xi32>
      %swap3A_166 = arith.index_cast %multiple_of3A_137 : i32 to index
      %swap3A_167 = tpu.vector_load %arg8[%swap3A_166] {strides = array<i32>} : memref<10240xi32, #tpu.memory_space<vmem>>, vector<16xi32>,
      tpu.vector_store %arg8[%swap3A_166], %add3A_165 {strides = array<i32>} : memref<10240xi32, #tpu.memory_space<vmem>>, vector<16xi32>,
      %mul3A_168 = arith.constant 5.120000e+02 : f32
      %mul3A_169 = vector.broadcast %mul3A_168 : f32 to vector<16xf32>
      %mul3A_170 = arith.mulf %gather3A_126, %mul3A_169 : vector<16xf32>
      %convert_element_type3A_171 = arith.fptosi %mul3A_170 : vector<16xf32> to vector<16xi32>
      %max3A_172 = arith.constant 0 : i32
      %max3A_173 = vector.broadcast %max3A_172 : i32 to vector<16xi32>
      %max3A_174 = arith.maxsi %convert_element_type3A_171, %max3A_173 : vector<16xi32>
      %min3A_175 = arith.constant 511 : i32
      %min3A_176 = vector.broadcast %min3A_175 : i32 to vector<16xi32>
      %min3A_177 = arith.minsi %max3A_174, %min3A_176 : vector<16xi32>
      %mul3A_178 = arith.constant 5.120000e+02 : f32
      %mul3A_179 = vector.broadcast %mul3A_178 : f32 to vector<16xf32>
      %mul3A_180 = arith.mulf %gather3A_130, %mul3A_179 : vector<16xf32>
      %convert_element_type3A_181 = arith.fptosi %mul3A_180 : vector<16xf32> to vector<16xi32>
      %max3A_182 = arith.constant 0 : i32
      %max3A_183 = vector.broadcast %max3A_182 : i32 to vector<16xi32>
      %max3A_184 = arith.maxsi %convert_element_type3A_181, %max3A_183 : vector<16xi32>
      %min3A_185 = arith.constant 511 : i32
      %min3A_186 = vector.broadcast %min3A_185 : i32 to vector<16xi32>
      %min3A_187 = arith.minsi %max3A_184, %min3A_186 : vector<16xi32>
      %sub3A_188 = arith.constant 511 : i32
      %sub3A_189 = vector.broadcast %sub3A_188 : i32 to vector<16xi32>
      %sub3A_190 = arith.subi %sub3A_189, %min3A_187 : vector<16xi32>
      %select_n3A_191 = arith.select %ne3A_57, %sub3A_190, %min3A_187 : vector<16xi1>, vector<16xi32>
      %mul3A_192 = arith.constant 512 : i32
      %mul3A_193 = vector.broadcast %mul3A_192 : i32 to vector<16xi32>
      %mul3A_194 = arith.muli %min3A_177, %mul3A_193 : vector<16xi32>
      %add3A_195 = vector.broadcast %mul3A_36 : i32 to vector<16xi32>
      %add3A_196 = arith.addi %add3A_195, %mul3A_194 : vector<16xi32>
      %add3A_197 = arith.addi %add3A_196, %select_n3A_191 : vector<16xi32>
      %swap3A_198 = arith.index_cast %multiple_of3A_137 : i32 to index
      %swap3A_199 = tpu.vector_load %arg9[%swap3A_198] {strides = array<i32>} : memref<10240xi32, #tpu.memory_space<vmem>>, vector<16xi32>,
      tpu.vector_store %arg9[%swap3A_198], %add3A_197 {strides = array<i32>} : memref<10240xi32, #tpu.memory_space<vmem>>, vector<16xi32>,
      %swap3A_200 = arith.index_cast %multiple_of3A_137 : i32 to index
      %swap3A_201 = tpu.vector_load %arg12[%swap3A_200] {strides = array<i32>} : memref<10240xf32, #tpu.memory_space<vmem>>, vector<16xf32>,
      tpu.vector_store %arg12[%swap3A_200], %gather3A_134 {strides = array<i32>} : memref<10240xf32, #tpu.memory_space<vmem>>, vector<16xf32>,
      %scan3A_202 = arith.constant 0 : i32
      scf.yield %scan3A_202 : i32
    }
    %scan3A_73 = arith.constant 625 : i32
    %scan3A_74 = arith.constant 0 : i32
    %scan3A_75 = arith.constant 0 : i32
    %scan3A_76 = arith.constant 10 : i32
    %scan3A_77 = arith.addi %scan3A_75, %scan3A_76 : i32
    %scan3A_78 = arith.constant 1 : i32
    %scan3A_79 = scf.for %scan3A_112 = %scan3A_75 to %scan3A_77 step %scan3A_78 iter_args(%scan3A_113 = %scan3A_74) -> (i32)  : i32 {
      %mul3A_114 = arith.constant 8 : i32
      %mul3A_115 = arith.muli %scan3A_112, %mul3A_114 : i32
      %add3A_116 = arith.constant 0 : i32
      %add3A_117 = arith.addi %mul3A_115, %add3A_116 : i32
      %mul3A_118 = arith.constant 128 : i32
      %mul3A_119 = arith.muli %add3A_117, %mul3A_118 : i32
      %multiple_of3A_120 = tpu.assume_multiple %mul3A_119, 8 : i32
      %dma_start3A = tpu.memref_slice %arg10[%multiple_of3A_120] : memref<10240xf32, #tpu.memory_space<vmem>> -> memref<128xf32, #tpu.memory_space<vmem>>
      %dma_start3A_121 = tpu.memref_slice %arg8[%multiple_of3A_120] : memref<10240xi32, #tpu.memory_space<vmem>> -> memref<128xi32, #tpu.memory_space<vmem>>
      %dma_start3A_122 = arith.constant 0 : i32
      %dma_start3A_123 = tpu.memref_slice %arg2[%dma_start3A_122] : memref<6291456xf32, #tpu.memory_space<hbm>> -> memref<6291456xf32, #tpu.memory_space<hbm>>
      tpu.enqueue_indirect_dma source(%dma_start3A_123 : memref<6291456xf32, #tpu.memory_space<hbm>>) target(%dma_start3A : memref<128xf32, #tpu.memory_space<vmem>>) offsets(%dma_start3A_121 : memref<128xi32, #tpu.memory_space<vmem>>) semaphore(%arg15 : memref<!tpu.dma_semaphore, #tpu.memory_space<semaphore_mem>>)
      %dma_start3A_124 = tpu.memref_slice %arg11[%multiple_of3A_120] : memref<10240xf32, #tpu.memory_space<vmem>> -> memref<128xf32, #tpu.memory_space<vmem>>
      %dma_start3A_125 = tpu.memref_slice %arg9[%multiple_of3A_120] : memref<10240xi32, #tpu.memory_space<vmem>> -> memref<128xi32, #tpu.memory_space<vmem>>
      %dma_start3A_126 = arith.constant 0 : i32
      %dma_start3A_127 = tpu.memref_slice %arg2[%dma_start3A_126] : memref<6291456xf32, #tpu.memory_space<hbm>> -> memref<6291456xf32, #tpu.memory_space<hbm>>
      tpu.enqueue_indirect_dma source(%dma_start3A_127 : memref<6291456xf32, #tpu.memory_space<hbm>>) target(%dma_start3A_124 : memref<128xf32, #tpu.memory_space<vmem>>) offsets(%dma_start3A_125 : memref<128xi32, #tpu.memory_space<vmem>>) semaphore(%arg15 : memref<!tpu.dma_semaphore, #tpu.memory_space<semaphore_mem>>)
      %mul3A_128 = arith.constant 8 : i32
      %mul3A_129 = arith.muli %scan3A_112, %mul3A_128 : i32
      %add3A_130 = arith.constant 1 : i32
      %add3A_131 = arith.addi %mul3A_129, %add3A_130 : i32
      %mul3A_132 = arith.constant 128 : i32
      %mul3A_133 = arith.muli %add3A_131, %mul3A_132 : i32
      %multiple_of3A_134 = tpu.assume_multiple %mul3A_133, 8 : i32
      %dma_start3A_135 = tpu.memref_slice %arg10[%multiple_of3A_134] : memref<10240xf32, #tpu.memory_space<vmem>> -> memref<128xf32, #tpu.memory_space<vmem>>
      %dma_start3A_136 = tpu.memref_slice %arg8[%multiple_of3A_134] : memref<10240xi32, #tpu.memory_space<vmem>> -> memref<128xi32, #tpu.memory_space<vmem>>
      %dma_start3A_137 = arith.constant 0 : i32
      %dma_start3A_138 = tpu.memref_slice %arg2[%dma_start3A_137] : memref<6291456xf32, #tpu.memory_space<hbm>> -> memref<6291456xf32, #tpu.memory_space<hbm>>
      tpu.enqueue_indirect_dma source(%dma_start3A_138 : memref<6291456xf32, #tpu.memory_space<hbm>>) target(%dma_start3A_135 : memref<128xf32, #tpu.memory_space<vmem>>) offsets(%dma_start3A_136 : memref<128xi32, #tpu.memory_space<vmem>>) semaphore(%arg15 : memref<!tpu.dma_semaphore, #tpu.memory_space<semaphore_mem>>)
      %dma_start3A_139 = tpu.memref_slice %arg11[%multiple_of3A_134] : memref<10240xf32, #tpu.memory_space<vmem>> -> memref<128xf32, #tpu.memory_space<vmem>>
      %dma_start3A_140 = tpu.memref_slice %arg9[%multiple_of3A_134] : memref<10240xi32, #tpu.memory_space<vmem>> -> memref<128xi32, #tpu.memory_space<vmem>>
      %dma_start3A_141 = arith.constant 0 : i32
      %dma_start3A_142 = tpu.memref_slice %arg2[%dma_start3A_141] : memref<6291456xf32, #tpu.memory_space<hbm>> -> memref<6291456xf32, #tpu.memory_space<hbm>>
      tpu.enqueue_indirect_dma source(%dma_start3A_142 : memref<6291456xf32, #tpu.memory_space<hbm>>) target(%dma_start3A_139 : memref<128xf32, #tpu.memory_space<vmem>>) offsets(%dma_start3A_140 : memref<128xi32, #tpu.memory_space<vmem>>) semaphore(%arg15 : memref<!tpu.dma_semaphore, #tpu.memory_space<semaphore_mem>>)
      %mul3A_143 = arith.constant 8 : i32
      %mul3A_144 = arith.muli %scan3A_112, %mul3A_143 : i32
      %add3A_145 = arith.constant 2 : i32
      %add3A_146 = arith.addi %mul3A_144, %add3A_145 : i32
      %mul3A_147 = arith.constant 128 : i32
      %mul3A_148 = arith.muli %add3A_146, %mul3A_147 : i32
      %multiple_of3A_149 = tpu.assume_multiple %mul3A_148, 8 : i32
      %dma_start3A_150 = tpu.memref_slice %arg10[%multiple_of3A_149] : memref<10240xf32, #tpu.memory_space<vmem>> -> memref<128xf32, #tpu.memory_space<vmem>>
      %dma_start3A_151 = tpu.memref_slice %arg8[%multiple_of3A_149] : memref<10240xi32, #tpu.memory_space<vmem>> -> memref<128xi32, #tpu.memory_space<vmem>>
      %dma_start3A_152 = arith.constant 0 : i32
      %dma_start3A_153 = tpu.memref_slice %arg2[%dma_start3A_152] : memref<6291456xf32, #tpu.memory_space<hbm>> -> memref<6291456xf32, #tpu.memory_space<hbm>>
      tpu.enqueue_indirect_dma source(%dma_start3A_153 : memref<6291456xf32, #tpu.memory_space<hbm>>) target(%dma_start3A_150 : memref<128xf32, #tpu.memory_space<vmem>>) offsets(%dma_start3A_151 : memref<128xi32, #tpu.memory_space<vmem>>) semaphore(%arg15 : memref<!tpu.dma_semaphore, #tpu.memory_space<semaphore_mem>>)
      %dma_start3A_154 = tpu.memref_slice %arg11[%multiple_of3A_149] : memref<10240xf32, #tpu.memory_space<vmem>> -> memref<128xf32, #tpu.memory_space<vmem>>
      %dma_start3A_155 = tpu.memref_slice %arg9[%multiple_of3A_149] : memref<10240xi32, #tpu.memory_space<vmem>> -> memref<128xi32, #tpu.memory_space<vmem>>
      %dma_start3A_156 = arith.constant 0 : i32
      %dma_start3A_157 = tpu.memref_slice %arg2[%dma_start3A_156] : memref<6291456xf32, #tpu.memory_space<hbm>> -> memref<6291456xf32, #tpu.memory_space<hbm>>
      tpu.enqueue_indirect_dma source(%dma_start3A_157 : memref<6291456xf32, #tpu.memory_space<hbm>>) target(%dma_start3A_154 : memref<128xf32, #tpu.memory_space<vmem>>) offsets(%dma_start3A_155 : memref<128xi32, #tpu.memory_space<vmem>>) semaphore(%arg15 : memref<!tpu.dma_semaphore, #tpu.memory_space<semaphore_mem>>)
      %mul3A_158 = arith.constant 8 : i32
      %mul3A_159 = arith.muli %scan3A_112, %mul3A_158 : i32
      %add3A_160 = arith.constant 3 : i32
      %add3A_161 = arith.addi %mul3A_159, %add3A_160 : i32
      %mul3A_162 = arith.constant 128 : i32
      %mul3A_163 = arith.muli %add3A_161, %mul3A_162 : i32
      %multiple_of3A_164 = tpu.assume_multiple %mul3A_163, 8 : i32
      %dma_start3A_165 = tpu.memref_slice %arg10[%multiple_of3A_164] : memref<10240xf32, #tpu.memory_space<vmem>> -> memref<128xf32, #tpu.memory_space<vmem>>
      %dma_start3A_166 = tpu.memref_slice %arg8[%multiple_of3A_164] : memref<10240xi32, #tpu.memory_space<vmem>> -> memref<128xi32, #tpu.memory_space<vmem>>
      %dma_start3A_167 = arith.constant 0 : i32
      %dma_start3A_168 = tpu.memref_slice %arg2[%dma_start3A_167] : memref<6291456xf32, #tpu.memory_space<hbm>> -> memref<6291456xf32, #tpu.memory_space<hbm>>
      tpu.enqueue_indirect_dma source(%dma_start3A_168 : memref<6291456xf32, #tpu.memory_space<hbm>>) target(%dma_start3A_165 : memref<128xf32, #tpu.memory_space<vmem>>) offsets(%dma_start3A_166 : memref<128xi32, #tpu.memory_space<vmem>>) semaphore(%arg15 : memref<!tpu.dma_semaphore, #tpu.memory_space<semaphore_mem>>)
      %dma_start3A_169 = tpu.memref_slice %arg11[%multiple_of3A_164] : memref<10240xf32, #tpu.memory_space<vmem>> -> memref<128xf32, #tpu.memory_space<vmem>>
      %dma_start3A_170 = tpu.memref_slice %arg9[%multiple_of3A_164] : memref<10240xi32, #tpu.memory_space<vmem>> -> memref<128xi32, #tpu.memory_space<vmem>>
      %dma_start3A_171 = arith.constant 0 : i32
      %dma_start3A_172 = tpu.memref_slice %arg2[%dma_start3A_171] : memref<6291456xf32, #tpu.memory_space<hbm>> -> memref<6291456xf32, #tpu.memory_space<hbm>>
      tpu.enqueue_indirect_dma source(%dma_start3A_172 : memref<6291456xf32, #tpu.memory_space<hbm>>) target(%dma_start3A_169 : memref<128xf32, #tpu.memory_space<vmem>>) offsets(%dma_start3A_170 : memref<128xi32, #tpu.memory_space<vmem>>) semaphore(%arg15 : memref<!tpu.dma_semaphore, #tpu.memory_space<semaphore_mem>>)
      %mul3A_173 = arith.constant 8 : i32
      %mul3A_174 = arith.muli %scan3A_112, %mul3A_173 : i32
      %add3A_175 = arith.constant 4 : i32
      %add3A_176 = arith.addi %mul3A_174, %add3A_175 : i32
      %mul3A_177 = arith.constant 128 : i32
      %mul3A_178 = arith.muli %add3A_176, %mul3A_177 : i32
      %multiple_of3A_179 = tpu.assume_multiple %mul3A_178, 8 : i32
      %dma_start3A_180 = tpu.memref_slice %arg10[%multiple_of3A_179] : memref<10240xf32, #tpu.memory_space<vmem>> -> memref<128xf32, #tpu.memory_space<vmem>>
      %dma_start3A_181 = tpu.memref_slice %arg8[%multiple_of3A_179] : memref<10240xi32, #tpu.memory_space<vmem>> -> memref<128xi32, #tpu.memory_space<vmem>>
      %dma_start3A_182 = arith.constant 0 : i32
      %dma_start3A_183 = tpu.memref_slice %arg2[%dma_start3A_182] : memref<6291456xf32, #tpu.memory_space<hbm>> -> memref<6291456xf32, #tpu.memory_space<hbm>>
      tpu.enqueue_indirect_dma source(%dma_start3A_183 : memref<6291456xf32, #tpu.memory_space<hbm>>) target(%dma_start3A_180 : memref<128xf32, #tpu.memory_space<vmem>>) offsets(%dma_start3A_181 : memref<128xi32, #tpu.memory_space<vmem>>) semaphore(%arg15 : memref<!tpu.dma_semaphore, #tpu.memory_space<semaphore_mem>>)
      %dma_start3A_184 = tpu.memref_slice %arg11[%multiple_of3A_179] : memref<10240xf32, #tpu.memory_space<vmem>> -> memref<128xf32, #tpu.memory_space<vmem>>
      %dma_start3A_185 = tpu.memref_slice %arg9[%multiple_of3A_179] : memref<10240xi32, #tpu.memory_space<vmem>> -> memref<128xi32, #tpu.memory_space<vmem>>
      %dma_start3A_186 = arith.constant 0 : i32
      %dma_start3A_187 = tpu.memref_slice %arg2[%dma_start3A_186] : memref<6291456xf32, #tpu.memory_space<hbm>> -> memref<6291456xf32, #tpu.memory_space<hbm>>
      tpu.enqueue_indirect_dma source(%dma_start3A_187 : memref<6291456xf32, #tpu.memory_space<hbm>>) target(%dma_start3A_184 : memref<128xf32, #tpu.memory_space<vmem>>) offsets(%dma_start3A_185 : memref<128xi32, #tpu.memory_space<vmem>>) semaphore(%arg15 : memref<!tpu.dma_semaphore, #tpu.memory_space<semaphore_mem>>)
      %mul3A_188 = arith.constant 8 : i32
      %mul3A_189 = arith.muli %scan3A_112, %mul3A_188 : i32
      %add3A_190 = arith.constant 5 : i32
      %add3A_191 = arith.addi %mul3A_189, %add3A_190 : i32
      %mul3A_192 = arith.constant 128 : i32
      %mul3A_193 = arith.muli %add3A_191, %mul3A_192 : i32
      %multiple_of3A_194 = tpu.assume_multiple %mul3A_193, 8 : i32
      %dma_start3A_195 = tpu.memref_slice %arg10[%multiple_of3A_194] : memref<10240xf32, #tpu.memory_space<vmem>> -> memref<128xf32, #tpu.memory_space<vmem>>
      %dma_start3A_196 = tpu.memref_slice %arg8[%multiple_of3A_194] : memref<10240xi32, #tpu.memory_space<vmem>> -> memref<128xi32, #tpu.memory_space<vmem>>
      %dma_start3A_197 = arith.constant 0 : i32
      %dma_start3A_198 = tpu.memref_slice %arg2[%dma_start3A_197] : memref<6291456xf32, #tpu.memory_space<hbm>> -> memref<6291456xf32, #tpu.memory_space<hbm>>
      tpu.enqueue_indirect_dma source(%dma_start3A_198 : memref<6291456xf32, #tpu.memory_space<hbm>>) target(%dma_start3A_195 : memref<128xf32, #tpu.memory_space<vmem>>) offsets(%dma_start3A_196 : memref<128xi32, #tpu.memory_space<vmem>>) semaphore(%arg15 : memref<!tpu.dma_semaphore, #tpu.memory_space<semaphore_mem>>)
      %dma_start3A_199 = tpu.memref_slice %arg11[%multiple_of3A_194] : memref<10240xf32, #tpu.memory_space<vmem>> -> memref<128xf32, #tpu.memory_space<vmem>>
      %dma_start3A_200 = tpu.memref_slice %arg9[%multiple_of3A_194] : memref<10240xi32, #tpu.memory_space<vmem>> -> memref<128xi32, #tpu.memory_space<vmem>>
      %dma_start3A_201 = arith.constant 0 : i32
      %dma_start3A_202 = tpu.memref_slice %arg2[%dma_start3A_201] : memref<6291456xf32, #tpu.memory_space<hbm>> -> memref<6291456xf32, #tpu.memory_space<hbm>>
      tpu.enqueue_indirect_dma source(%dma_start3A_202 : memref<6291456xf32, #tpu.memory_space<hbm>>) target(%dma_start3A_199 : memref<128xf32, #tpu.memory_space<vmem>>) offsets(%dma_start3A_200 : memref<128xi32, #tpu.memory_space<vmem>>) semaphore(%arg15 : memref<!tpu.dma_semaphore, #tpu.memory_space<semaphore_mem>>)
      %mul3A_203 = arith.constant 8 : i32
      %mul3A_204 = arith.muli %scan3A_112, %mul3A_203 : i32
      %add3A_205 = arith.constant 6 : i32
      %add3A_206 = arith.addi %mul3A_204, %add3A_205 : i32
      %mul3A_207 = arith.constant 128 : i32
      %mul3A_208 = arith.muli %add3A_206, %mul3A_207 : i32
      %multiple_of3A_209 = tpu.assume_multiple %mul3A_208, 8 : i32
      %dma_start3A_210 = tpu.memref_slice %arg10[%multiple_of3A_209] : memref<10240xf32, #tpu.memory_space<vmem>> -> memref<128xf32, #tpu.memory_space<vmem>>
      %dma_start3A_211 = tpu.memref_slice %arg8[%multiple_of3A_209] : memref<10240xi32, #tpu.memory_space<vmem>> -> memref<128xi32, #tpu.memory_space<vmem>>
      %dma_start3A_212 = arith.constant 0 : i32
      %dma_start3A_213 = tpu.memref_slice %arg2[%dma_start3A_212] : memref<6291456xf32, #tpu.memory_space<hbm>> -> memref<6291456xf32, #tpu.memory_space<hbm>>
      tpu.enqueue_indirect_dma source(%dma_start3A_213 : memref<6291456xf32, #tpu.memory_space<hbm>>) target(%dma_start3A_210 : memref<128xf32, #tpu.memory_space<vmem>>) offsets(%dma_start3A_211 : memref<128xi32, #tpu.memory_space<vmem>>) semaphore(%arg15 : memref<!tpu.dma_semaphore, #tpu.memory_space<semaphore_mem>>)
      %dma_start3A_214 = tpu.memref_slice %arg11[%multiple_of3A_209] : memref<10240xf32, #tpu.memory_space<vmem>> -> memref<128xf32, #tpu.memory_space<vmem>>
      %dma_start3A_215 = tpu.memref_slice %arg9[%multiple_of3A_209] : memref<10240xi32, #tpu.memory_space<vmem>> -> memref<128xi32, #tpu.memory_space<vmem>>
      %dma_start3A_216 = arith.constant 0 : i32
      %dma_start3A_217 = tpu.memref_slice %arg2[%dma_start3A_216] : memref<6291456xf32, #tpu.memory_space<hbm>> -> memref<6291456xf32, #tpu.memory_space<hbm>>
      tpu.enqueue_indirect_dma source(%dma_start3A_217 : memref<6291456xf32, #tpu.memory_space<hbm>>) target(%dma_start3A_214 : memref<128xf32, #tpu.memory_space<vmem>>) offsets(%dma_start3A_215 : memref<128xi32, #tpu.memory_space<vmem>>) semaphore(%arg15 : memref<!tpu.dma_semaphore, #tpu.memory_space<semaphore_mem>>)
      %mul3A_218 = arith.constant 8 : i32
      %mul3A_219 = arith.muli %scan3A_112, %mul3A_218 : i32
      %add3A_220 = arith.constant 7 : i32
      %add3A_221 = arith.addi %mul3A_219, %add3A_220 : i32
      %mul3A_222 = arith.constant 128 : i32
      %mul3A_223 = arith.muli %add3A_221, %mul3A_222 : i32
      %multiple_of3A_224 = tpu.assume_multiple %mul3A_223, 8 : i32
      %dma_start3A_225 = tpu.memref_slice %arg10[%multiple_of3A_224] : memref<10240xf32, #tpu.memory_space<vmem>> -> memref<128xf32, #tpu.memory_space<vmem>>
      %dma_start3A_226 = tpu.memref_slice %arg8[%multiple_of3A_224] : memref<10240xi32, #tpu.memory_space<vmem>> -> memref<128xi32, #tpu.memory_space<vmem>>
      %dma_start3A_227 = arith.constant 0 : i32
      %dma_start3A_228 = tpu.memref_slice %arg2[%dma_start3A_227] : memref<6291456xf32, #tpu.memory_space<hbm>> -> memref<6291456xf32, #tpu.memory_space<hbm>>
      tpu.enqueue_indirect_dma source(%dma_start3A_228 : memref<6291456xf32, #tpu.memory_space<hbm>>) target(%dma_start3A_225 : memref<128xf32, #tpu.memory_space<vmem>>) offsets(%dma_start3A_226 : memref<128xi32, #tpu.memory_space<vmem>>) semaphore(%arg15 : memref<!tpu.dma_semaphore, #tpu.memory_space<semaphore_mem>>)
      %dma_start3A_229 = tpu.memref_slice %arg11[%multiple_of3A_224] : memref<10240xf32, #tpu.memory_space<vmem>> -> memref<128xf32, #tpu.memory_space<vmem>>
      %dma_start3A_230 = tpu.memref_slice %arg9[%multiple_of3A_224] : memref<10240xi32, #tpu.memory_space<vmem>> -> memref<128xi32, #tpu.memory_space<vmem>>
      %dma_start3A_231 = arith.constant 0 : i32
      %dma_start3A_232 = tpu.memref_slice %arg2[%dma_start3A_231] : memref<6291456xf32, #tpu.memory_space<hbm>> -> memref<6291456xf32, #tpu.memory_space<hbm>>
      tpu.enqueue_indirect_dma source(%dma_start3A_232 : memref<6291456xf32, #tpu.memory_space<hbm>>) target(%dma_start3A_229 : memref<128xf32, #tpu.memory_space<vmem>>) offsets(%dma_start3A_230 : memref<128xi32, #tpu.memory_space<vmem>>) semaphore(%arg15 : memref<!tpu.dma_semaphore, #tpu.memory_space<semaphore_mem>>)
      %dma_wait3A = tpu.memref_slice %arg10[%multiple_of3A_120] : memref<10240xf32, #tpu.memory_space<vmem>> -> memref<128xf32, #tpu.memory_space<vmem>>
      %dma_wait3A_233 = tpu.memref_slice %arg8[%multiple_of3A_120] : memref<10240xi32, #tpu.memory_space<vmem>> -> memref<128xi32, #tpu.memory_space<vmem>>
      %dma_wait3A_234 = arith.constant 0 : i32
      %dma_wait3A_235 = tpu.memref_slice %arg2[%dma_wait3A_234] : memref<6291456xf32, #tpu.memory_space<hbm>> -> memref<6291456xf32, #tpu.memory_space<hbm>>
      tpu.wait_indirect_dma semaphore(%arg15 : memref<!tpu.dma_semaphore, #tpu.memory_space<semaphore_mem>>) src(%dma_wait3A_235 : memref<6291456xf32, #tpu.memory_space<hbm>>) dst(%dma_wait3A : memref<128xf32, #tpu.memory_space<vmem>>)
      %dma_wait3A_236 = tpu.memref_slice %arg11[%multiple_of3A_120] : memref<10240xf32, #tpu.memory_space<vmem>> -> memref<128xf32, #tpu.memory_space<vmem>>
      %dma_wait3A_237 = tpu.memref_slice %arg9[%multiple_of3A_120] : memref<10240xi32, #tpu.memory_space<vmem>> -> memref<128xi32, #tpu.memory_space<vmem>>
      %dma_wait3A_238 = arith.constant 0 : i32
      %dma_wait3A_239 = tpu.memref_slice %arg2[%dma_wait3A_238] : memref<6291456xf32, #tpu.memory_space<hbm>> -> memref<6291456xf32, #tpu.memory_space<hbm>>
      tpu.wait_indirect_dma semaphore(%arg15 : memref<!tpu.dma_semaphore, #tpu.memory_space<semaphore_mem>>) src(%dma_wait3A_239 : memref<6291456xf32, #tpu.memory_space<hbm>>) dst(%dma_wait3A_236 : memref<128xf32, #tpu.memory_space<vmem>>)
      %dma_wait3A_240 = tpu.memref_slice %arg10[%multiple_of3A_134] : memref<10240xf32, #tpu.memory_space<vmem>> -> memref<128xf32, #tpu.memory_space<vmem>>
      %dma_wait3A_241 = tpu.memref_slice %arg8[%multiple_of3A_134] : memref<10240xi32, #tpu.memory_space<vmem>> -> memref<128xi32, #tpu.memory_space<vmem>>
      %dma_wait3A_242 = arith.constant 0 : i32
      %dma_wait3A_243 = tpu.memref_slice %arg2[%dma_wait3A_242] : memref<6291456xf32, #tpu.memory_space<hbm>> -> memref<6291456xf32, #tpu.memory_space<hbm>>
      tpu.wait_indirect_dma semaphore(%arg15 : memref<!tpu.dma_semaphore, #tpu.memory_space<semaphore_mem>>) src(%dma_wait3A_243 : memref<6291456xf32, #tpu.memory_space<hbm>>) dst(%dma_wait3A_240 : memref<128xf32, #tpu.memory_space<vmem>>)
      %dma_wait3A_244 = tpu.memref_slice %arg11[%multiple_of3A_134] : memref<10240xf32, #tpu.memory_space<vmem>> -> memref<128xf32, #tpu.memory_space<vmem>>
      %dma_wait3A_245 = tpu.memref_slice %arg9[%multiple_of3A_134] : memref<10240xi32, #tpu.memory_space<vmem>> -> memref<128xi32, #tpu.memory_space<vmem>>
      %dma_wait3A_246 = arith.constant 0 : i32
      %dma_wait3A_247 = tpu.memref_slice %arg2[%dma_wait3A_246] : memref<6291456xf32, #tpu.memory_space<hbm>> -> memref<6291456xf32, #tpu.memory_space<hbm>>
      tpu.wait_indirect_dma semaphore(%arg15 : memref<!tpu.dma_semaphore, #tpu.memory_space<semaphore_mem>>) src(%dma_wait3A_247 : memref<6291456xf32, #tpu.memory_space<hbm>>) dst(%dma_wait3A_244 : memref<128xf32, #tpu.memory_space<vmem>>)
      %dma_wait3A_248 = tpu.memref_slice %arg10[%multiple_of3A_149] : memref<10240xf32, #tpu.memory_space<vmem>> -> memref<128xf32, #tpu.memory_space<vmem>>
      %dma_wait3A_249 = tpu.memref_slice %arg8[%multiple_of3A_149] : memref<10240xi32, #tpu.memory_space<vmem>> -> memref<128xi32, #tpu.memory_space<vmem>>
      %dma_wait3A_250 = arith.constant 0 : i32
      %dma_wait3A_251 = tpu.memref_slice %arg2[%dma_wait3A_250] : memref<6291456xf32, #tpu.memory_space<hbm>> -> memref<6291456xf32, #tpu.memory_space<hbm>>
      tpu.wait_indirect_dma semaphore(%arg15 : memref<!tpu.dma_semaphore, #tpu.memory_space<semaphore_mem>>) src(%dma_wait3A_251 : memref<6291456xf32, #tpu.memory_space<hbm>>) dst(%dma_wait3A_248 : memref<128xf32, #tpu.memory_space<vmem>>)
      %dma_wait3A_252 = tpu.memref_slice %arg11[%multiple_of3A_149] : memref<10240xf32, #tpu.memory_space<vmem>> -> memref<128xf32, #tpu.memory_space<vmem>>
      %dma_wait3A_253 = tpu.memref_slice %arg9[%multiple_of3A_149] : memref<10240xi32, #tpu.memory_space<vmem>> -> memref<128xi32, #tpu.memory_space<vmem>>
      %dma_wait3A_254 = arith.constant 0 : i32
      %dma_wait3A_255 = tpu.memref_slice %arg2[%dma_wait3A_254] : memref<6291456xf32, #tpu.memory_space<hbm>> -> memref<6291456xf32, #tpu.memory_space<hbm>>
      tpu.wait_indirect_dma semaphore(%arg15 : memref<!tpu.dma_semaphore, #tpu.memory_space<semaphore_mem>>) src(%dma_wait3A_255 : memref<6291456xf32, #tpu.memory_space<hbm>>) dst(%dma_wait3A_252 : memref<128xf32, #tpu.memory_space<vmem>>)
      %dma_wait3A_256 = tpu.memref_slice %arg10[%multiple_of3A_164] : memref<10240xf32, #tpu.memory_space<vmem>> -> memref<128xf32, #tpu.memory_space<vmem>>
      %dma_wait3A_257 = tpu.memref_slice %arg8[%multiple_of3A_164] : memref<10240xi32, #tpu.memory_space<vmem>> -> memref<128xi32, #tpu.memory_space<vmem>>
      %dma_wait3A_258 = arith.constant 0 : i32
      %dma_wait3A_259 = tpu.memref_slice %arg2[%dma_wait3A_258] : memref<6291456xf32, #tpu.memory_space<hbm>> -> memref<6291456xf32, #tpu.memory_space<hbm>>
      tpu.wait_indirect_dma semaphore(%arg15 : memref<!tpu.dma_semaphore, #tpu.memory_space<semaphore_mem>>) src(%dma_wait3A_259 : memref<6291456xf32, #tpu.memory_space<hbm>>) dst(%dma_wait3A_256 : memref<128xf32, #tpu.memory_space<vmem>>)
      %dma_wait3A_260 = tpu.memref_slice %arg11[%multiple_of3A_164] : memref<10240xf32, #tpu.memory_space<vmem>> -> memref<128xf32, #tpu.memory_space<vmem>>
      %dma_wait3A_261 = tpu.memref_slice %arg9[%multiple_of3A_164] : memref<10240xi32, #tpu.memory_space<vmem>> -> memref<128xi32, #tpu.memory_space<vmem>>
      %dma_wait3A_262 = arith.constant 0 : i32
      %dma_wait3A_263 = tpu.memref_slice %arg2[%dma_wait3A_262] : memref<6291456xf32, #tpu.memory_space<hbm>> -> memref<6291456xf32, #tpu.memory_space<hbm>>
      tpu.wait_indirect_dma semaphore(%arg15 : memref<!tpu.dma_semaphore, #tpu.memory_space<semaphore_mem>>) src(%dma_wait3A_263 : memref<6291456xf32, #tpu.memory_space<hbm>>) dst(%dma_wait3A_260 : memref<128xf32, #tpu.memory_space<vmem>>)
      %dma_wait3A_264 = tpu.memref_slice %arg10[%multiple_of3A_179] : memref<10240xf32, #tpu.memory_space<vmem>> -> memref<128xf32, #tpu.memory_space<vmem>>
      %dma_wait3A_265 = tpu.memref_slice %arg8[%multiple_of3A_179] : memref<10240xi32, #tpu.memory_space<vmem>> -> memref<128xi32, #tpu.memory_space<vmem>>
      %dma_wait3A_266 = arith.constant 0 : i32
      %dma_wait3A_267 = tpu.memref_slice %arg2[%dma_wait3A_266] : memref<6291456xf32, #tpu.memory_space<hbm>> -> memref<6291456xf32, #tpu.memory_space<hbm>>
      tpu.wait_indirect_dma semaphore(%arg15 : memref<!tpu.dma_semaphore, #tpu.memory_space<semaphore_mem>>) src(%dma_wait3A_267 : memref<6291456xf32, #tpu.memory_space<hbm>>) dst(%dma_wait3A_264 : memref<128xf32, #tpu.memory_space<vmem>>)
      %dma_wait3A_268 = tpu.memref_slice %arg11[%multiple_of3A_179] : memref<10240xf32, #tpu.memory_space<vmem>> -> memref<128xf32, #tpu.memory_space<vmem>>
      %dma_wait3A_269 = tpu.memref_slice %arg9[%multiple_of3A_179] : memref<10240xi32, #tpu.memory_space<vmem>> -> memref<128xi32, #tpu.memory_space<vmem>>
      %dma_wait3A_270 = arith.constant 0 : i32
      %dma_wait3A_271 = tpu.memref_slice %arg2[%dma_wait3A_270] : memref<6291456xf32, #tpu.memory_space<hbm>> -> memref<6291456xf32, #tpu.memory_space<hbm>>
      tpu.wait_indirect_dma semaphore(%arg15 : memref<!tpu.dma_semaphore, #tpu.memory_space<semaphore_mem>>) src(%dma_wait3A_271 : memref<6291456xf32, #tpu.memory_space<hbm>>) dst(%dma_wait3A_268 : memref<128xf32, #tpu.memory_space<vmem>>)
      %dma_wait3A_272 = tpu.memref_slice %arg10[%multiple_of3A_194] : memref<10240xf32, #tpu.memory_space<vmem>> -> memref<128xf32, #tpu.memory_space<vmem>>
      %dma_wait3A_273 = tpu.memref_slice %arg8[%multiple_of3A_194] : memref<10240xi32, #tpu.memory_space<vmem>> -> memref<128xi32, #tpu.memory_space<vmem>>
      %dma_wait3A_274 = arith.constant 0 : i32
      %dma_wait3A_275 = tpu.memref_slice %arg2[%dma_wait3A_274] : memref<6291456xf32, #tpu.memory_space<hbm>> -> memref<6291456xf32, #tpu.memory_space<hbm>>
      tpu.wait_indirect_dma semaphore(%arg15 : memref<!tpu.dma_semaphore, #tpu.memory_space<semaphore_mem>>) src(%dma_wait3A_275 : memref<6291456xf32, #tpu.memory_space<hbm>>) dst(%dma_wait3A_272 : memref<128xf32, #tpu.memory_space<vmem>>)
      %dma_wait3A_276 = tpu.memref_slice %arg11[%multiple_of3A_194] : memref<10240xf32, #tpu.memory_space<vmem>> -> memref<128xf32, #tpu.memory_space<vmem>>
      %dma_wait3A_277 = tpu.memref_slice %arg9[%multiple_of3A_194] : memref<10240xi32, #tpu.memory_space<vmem>> -> memref<128xi32, #tpu.memory_space<vmem>>
      %dma_wait3A_278 = arith.constant 0 : i32
      %dma_wait3A_279 = tpu.memref_slice %arg2[%dma_wait3A_278] : memref<6291456xf32, #tpu.memory_space<hbm>> -> memref<6291456xf32, #tpu.memory_space<hbm>>
      tpu.wait_indirect_dma semaphore(%arg15 : memref<!tpu.dma_semaphore, #tpu.memory_space<semaphore_mem>>) src(%dma_wait3A_279 : memref<6291456xf32, #tpu.memory_space<hbm>>) dst(%dma_wait3A_276 : memref<128xf32, #tpu.memory_space<vmem>>)
      %dma_wait3A_280 = tpu.memref_slice %arg10[%multiple_of3A_209] : memref<10240xf32, #tpu.memory_space<vmem>> -> memref<128xf32, #tpu.memory_space<vmem>>
      %dma_wait3A_281 = tpu.memref_slice %arg8[%multiple_of3A_209] : memref<10240xi32, #tpu.memory_space<vmem>> -> memref<128xi32, #tpu.memory_space<vmem>>
      %dma_wait3A_282 = arith.constant 0 : i32
      %dma_wait3A_283 = tpu.memref_slice %arg2[%dma_wait3A_282] : memref<6291456xf32, #tpu.memory_space<hbm>> -> memref<6291456xf32, #tpu.memory_space<hbm>>
      tpu.wait_indirect_dma semaphore(%arg15 : memref<!tpu.dma_semaphore, #tpu.memory_space<semaphore_mem>>) src(%dma_wait3A_283 : memref<6291456xf32, #tpu.memory_space<hbm>>) dst(%dma_wait3A_280 : memref<128xf32, #tpu.memory_space<vmem>>)
      %dma_wait3A_284 = tpu.memref_slice %arg11[%multiple_of3A_209] : memref<10240xf32, #tpu.memory_space<vmem>> -> memref<128xf32, #tpu.memory_space<vmem>>
      %dma_wait3A_285 = tpu.memref_slice %arg9[%multiple_of3A_209] : memref<10240xi32, #tpu.memory_space<vmem>> -> memref<128xi32, #tpu.memory_space<vmem>>
      %dma_wait3A_286 = arith.constant 0 : i32
      %dma_wait3A_287 = tpu.memref_slice %arg2[%dma_wait3A_286] : memref<6291456xf32, #tpu.memory_space<hbm>> -> memref<6291456xf32, #tpu.memory_space<hbm>>
      tpu.wait_indirect_dma semaphore(%arg15 : memref<!tpu.dma_semaphore, #tpu.memory_space<semaphore_mem>>) src(%dma_wait3A_287 : memref<6291456xf32, #tpu.memory_space<hbm>>) dst(%dma_wait3A_284 : memref<128xf32, #tpu.memory_space<vmem>>)
      %dma_wait3A_288 = tpu.memref_slice %arg10[%multiple_of3A_224] : memref<10240xf32, #tpu.memory_space<vmem>> -> memref<128xf32, #tpu.memory_space<vmem>>
      %dma_wait3A_289 = tpu.memref_slice %arg8[%multiple_of3A_224] : memref<10240xi32, #tpu.memory_space<vmem>> -> memref<128xi32, #tpu.memory_space<vmem>>
      %dma_wait3A_290 = arith.constant 0 : i32
      %dma_wait3A_291 = tpu.memref_slice %arg2[%dma_wait3A_290] : memref<6291456xf32, #tpu.memory_space<hbm>> -> memref<6291456xf32, #tpu.memory_space<hbm>>
      tpu.wait_indirect_dma semaphore(%arg15 : memref<!tpu.dma_semaphore, #tpu.memory_space<semaphore_mem>>) src(%dma_wait3A_291 : memref<6291456xf32, #tpu.memory_space<hbm>>) dst(%dma_wait3A_288 : memref<128xf32, #tpu.memory_space<vmem>>)
      %dma_wait3A_292 = tpu.memref_slice %arg11[%multiple_of3A_224] : memref<10240xf32, #tpu.memory_space<vmem>> -> memref<128xf32, #tpu.memory_space<vmem>>
      %dma_wait3A_293 = tpu.memref_slice %arg9[%multiple_of3A_224] : memref<10240xi32, #tpu.memory_space<vmem>> -> memref<128xi32, #tpu.memory_space<vmem>>
      %dma_wait3A_294 = arith.constant 0 : i32
      %dma_wait3A_295 = tpu.memref_slice %arg2[%dma_wait3A_294] : memref<6291456xf32, #tpu.memory_space<hbm>> -> memref<6291456xf32, #tpu.memory_space<hbm>>
      tpu.wait_indirect_dma semaphore(%arg15 : memref<!tpu.dma_semaphore, #tpu.memory_space<semaphore_mem>>) src(%dma_wait3A_295 : memref<6291456xf32, #tpu.memory_space<hbm>>) dst(%dma_wait3A_292 : memref<128xf32, #tpu.memory_space<vmem>>)
      %scan3A_296 = arith.constant 0 : i32
      scf.yield %scan3A_296 : i32
    }
    %scan3A_80 = arith.constant 10 : i32
    %add3A_81 = vector.broadcast %select_n3A_30 : i32 to vector<16xi32>
    %add3A_82 = arith.addi %broadcast_in_dim3A_50, %add3A_81 : vector<16xi32>
    %ne3A_83 = arith.constant 0 : i32
    %ne3A_84 = vector.broadcast %ne3A_83 : i32 to vector<16xi32>
    %ne3A_85 = arith.cmpi ne, %add3A_82, %ne3A_84 : vector<16xi32>
    %scan3A_86 = arith.constant 0 : i32
    %scan3A_87 = arith.constant 640 : i32
    %scan3A_88 = arith.addi %scan3A_86, %scan3A_87 : i32
    %scan3A_89 = arith.constant 1 : i32
    %scan3A_90:2 = scf.for %scan3A_112 = %scan3A_86 to %scan3A_88 step %scan3A_89 iter_args(%scan3A_113 = %broadcast_in_dim3A_52, %scan3A_114 = %broadcast_in_dim3A_52) -> (vector<16xf32>, vector<16xf32>)  : i32 {
      %mul3A_115 = arith.constant 16 : i32
      %mul3A_116 = arith.muli %scan3A_112, %mul3A_115 : i32
      %multiple_of3A_117 = tpu.assume_multiple %mul3A_116, 8 : i32
      %get3A = arith.index_cast %multiple_of3A_117 : i32 to index
      %get3A_118 = tpu.vector_load %arg10[%get3A] {strides = array<i32>} : memref<10240xf32, #tpu.memory_space<vmem>>, vector<16xf32>,
      %get3A_119 = arith.index_cast %multiple_of3A_117 : i32 to index
      %get3A_120 = tpu.vector_load %arg11[%get3A_119] {strides = array<i32>} : memref<10240xf32, #tpu.memory_space<vmem>>, vector<16xf32>,
      %get3A_121 = arith.index_cast %multiple_of3A_117 : i32 to index
      %get3A_122 = tpu.vector_load %arg12[%get3A_121] {strides = array<i32>} : memref<10240xf32, #tpu.memory_space<vmem>>, vector<16xf32>,
      %sub3A_123 = arith.subf %get3A_118, %get3A_120 : vector<16xf32>
      %abs3A = math.absf %sub3A_123 : vector<16xf32>
      %sub3A_124 = arith.constant 1.000000e-01 : f32
      %sub3A_125 = vector.broadcast %sub3A_124 : f32 to vector<16xf32>
      %sub3A_126 = arith.subf %abs3A, %sub3A_125 : vector<16xf32>
      %max3A = arith.constant 0.000000e+00 : f32
      %max3A_127 = vector.broadcast %max3A : f32 to vector<16xf32>
      %max3A_128 = arith.maximumf %sub3A_126, %max3A_127 : vector<16xf32>
      %sub3A_129 = arith.constant 2.500000e-01 : f32
      %sub3A_130 = vector.broadcast %sub3A_129 : f32 to vector<16xf32>
      %sub3A_131 = arith.subf %sub3A_130, %sub3A_123 : vector<16xf32>
      %max3A_132 = arith.constant 0.000000e+00 : f32
      %max3A_133 = vector.broadcast %max3A_132 : f32 to vector<16xf32>
      %max3A_134 = arith.maximumf %sub3A_131, %max3A_133 : vector<16xf32>
      %select_n3A_135 = arith.select %ne3A_85, %max3A_134, %max3A_128 : vector<16xi1>, vector<16xf32>
      %mul3A_136 = arith.mulf %select_n3A_135, %get3A_122 : vector<16xf32>
      %add3A_137 = arith.addf %scan3A_113, %mul3A_136 : vector<16xf32>
      %add3A_138 = arith.addf %scan3A_114, %get3A_122 : vector<16xf32>
      scf.yield %add3A_137, %add3A_138 : vector<16xf32>, vector<16xf32>
    }
    %scan3A_91 = arith.constant 640 : i32
    %reduce_sum3A = arith.constant true
    %reduce_sum3A_92 = vector.broadcast %reduce_sum3A : i1 to vector<16xi1>
    %reduce_sum3A_93 = tpu.scan <sum>, %scan3A_90#0 masked %reduce_sum3A_92 : vector<16xf32>, vector<16xi1> -> vector<16xf32>
    %reduce_sum3A_94 = vector.extract %reduce_sum3A_93[15] : f32 from vector<16xf32>
    %reduce_sum3A_95 = arith.constant true
    %reduce_sum3A_96 = vector.broadcast %reduce_sum3A_95 : i1 to vector<16xi1>
    %reduce_sum3A_97 = tpu.scan <sum>, %scan3A_90#1 masked %reduce_sum3A_96 : vector<16xf32>, vector<16xi1> -> vector<16xf32>
    %reduce_sum3A_98 = vector.extract %reduce_sum3A_97[15] : f32 from vector<16xf32>
    %eq3A_99 = arith.constant 0 : i32
    %eq3A_100 = vector.broadcast %eq3A_99 : i32 to vector<16xi32>
    %eq3A_101 = arith.cmpi eq, %iota3A, %eq3A_100 : vector<16xi32>
    %eq3A_102 = arith.constant 1 : i32
    %eq3A_103 = vector.broadcast %eq3A_102 : i32 to vector<16xi32>
    %eq3A_104 = arith.cmpi eq, %iota3A, %eq3A_103 : vector<16xi32>
    %jit3A_105 = arith.constant 0.000000e+00 : f32
    %broadcast_in_dim3A_106 = vector.broadcast %reduce_sum3A_98 : f32 to vector<16xf32>
    %broadcast_in_dim3A_107 = vector.broadcast %jit3A_105 : f32 to vector<16xf32>
    %select_n3A_108 = arith.select %eq3A_104, %broadcast_in_dim3A_106, %broadcast_in_dim3A_107 : vector<16xi1>, vector<16xf32>
    %broadcast_in_dim3A_109 = vector.broadcast %reduce_sum3A_94 : f32 to vector<16xf32>
    %select_n3A_110 = arith.select %eq3A_101, %broadcast_in_dim3A_109, %select_n3A_108 : vector<16xi1>, vector<16xf32>
    %swap3A = arith.constant 0 : index
    %swap3A_111 = tpu.vector_load %arg14[%swap3A] {strides = array<i32>} : memref<16xf32, #tpu.memory_space<vmem>>, vector<16xf32>,
    tpu.vector_store %arg14[%swap3A], %select_n3A_110 {strides = array<i32>} : memref<16xf32, #tpu.memory_space<vmem>>, vector<16xf32>,
    "tpu.region"() ({
      %run_scoped3A = tpu.sem_alloc : memref<!tpu.dma_semaphore, #tpu.memory_space<semaphore_mem>>
      %dma_start3A = arith.constant 0 : i32
      %dma_start3A_112 = tpu.memref_slice %arg6[%add3A, %dma_start3A] : memref<32x16xf32, #tpu.memory_space<hbm>> -> memref<1x16xf32, #tpu.memory_space<hbm>>
      %dma_start3A_113 = tpu.memref_squeeze %dma_start3A_112 : memref<1x16xf32, #tpu.memory_space<hbm>> -> memref<16xf32, #tpu.memory_space<hbm>>
      %dma_start3A_114 = arith.constant 0 : i32
      %dma_start3A_115 = tpu.memref_slice %arg6[%add3A, %dma_start3A_114] : memref<32x16xf32, #tpu.memory_space<hbm>> -> memref<1x16xf32, #tpu.memory_space<hbm>>
      %dma_start3A_116 = tpu.memref_squeeze %dma_start3A_115 : memref<1x16xf32, #tpu.memory_space<hbm>> -> memref<16xf32, #tpu.memory_space<hbm>>
      tpu.enqueue_dma source(%arg14 : memref<16xf32, #tpu.memory_space<vmem>>) target(%dma_start3A_116 : memref<16xf32, #tpu.memory_space<hbm>>) target_semaphore(%run_scoped3A : memref<!tpu.dma_semaphore, #tpu.memory_space<semaphore_mem>>)
      %dma_wait3A = arith.constant 0 : i32
      %dma_wait3A_117 = tpu.memref_slice %arg6[%add3A, %dma_wait3A] : memref<32x16xf32, #tpu.memory_space<hbm>> -> memref<1x16xf32, #tpu.memory_space<hbm>>
      %dma_wait3A_118 = tpu.memref_squeeze %dma_wait3A_117 : memref<1x16xf32, #tpu.memory_space<hbm>> -> memref<16xf32, #tpu.memory_space<hbm>>
      %dma_wait3A_119 = arith.constant 0 : i32
      %dma_wait3A_120 = tpu.memref_slice %arg6[%add3A, %dma_wait3A_119] : memref<32x16xf32, #tpu.memory_space<hbm>> -> memref<1x16xf32, #tpu.memory_space<hbm>>
      %dma_wait3A_121 = tpu.memref_squeeze %dma_wait3A_120 : memref<1x16xf32, #tpu.memory_space<hbm>> -> memref<16xf32, #tpu.memory_space<hbm>>
      tpu.wait_dma2 semaphore(%run_scoped3A : memref<!tpu.dma_semaphore, #tpu.memory_space<semaphore_mem>>) src(%arg14 : memref<16xf32, #tpu.memory_space<vmem>>) dst(%dma_wait3A_121 : memref<16xf32, #tpu.memory_space<hbm>>)
      tpu.yield
    }) : () -> ()
    return
  }
}

</mosaic_0001>

<sc_bundles>
// kernel: kernel.3.cloned.1.call-start
scs
__scs_entry_jumppad:
0x0: {  	(pc) =	sbr.rel $0x88, $3  }
0x1: {  	(tag) =	ssettag $0x0;
	lr =	simm.s32 $0x1  }
0x2: {  	[smem:$0x3F9D] =	sst lr;
	_ =	strace $0xD0000000  }
0x3: {  	_ = 	snop  }
0x4: {  	_ = 	snop  }
0x5: {  	_ = 	snop  }
0x6: {  	_ = 	snop  }
0x7: {  	_ = 	snop  }
__scs_overlays_trampoline_lowered:
0x8: {  	[smem:$0x3FAC] =	sst s0  }
0x9: {  	[smem:$0x3FAD] =	sst s1  }
0xa: {  	[smem:$0x3FAE] =	sst s2  }
0xb: {  	[smem:$0x3FAF] =	sst s3  }
0xc: {  	[smem:$0x3FB0] =	sst s4  }
0xd: {  	[smem:$0x3FB1] =	sst s5  }
0xe: {  	[smem:$0x3FB2] =	sst s6  }
0xf: {  	[smem:$0x3FB3] =	sst s7  }
0x10: {  	[smem:$0x3FB4] =	sst s8  }
0x11: {  	[smem:$0x3FB5] =	sst s9;
	s0 =	simm.s32 @!p0 $0x0  }
0x12: {  	s1 =	sld [smem:$0x3F9B];
	s0 =	simm.s32 @p0 $0x1  }
0x13: {  	[smem:$0x3FB6] =	sst s0;
	s0 =	simm.s32 @!p1 $0x0  }
0x14: {  	s2 =	sld [smem:$0x3F9A];
	s0 =	simm.s32 @p1 $0x1  }
0x15: {  	[smem:$0x3FB7] =	sst s0;
	s0 =	simm.s32 @!p2 $0x0  }
0x16: {  	s3 =	sld [smem:$0x3FDB];
	s0 =	simm.s32 @p2 $0x1  }
0x17: {  	s4 =	simm.s32 $0x1BF5;
	[smem:$0x3FB9] =	sst s0  }
0x18: {  	s0 =	sld [smem:$0x3F9C];
	_ =	swait.ge [sflag:s4], $0x0  }
0x19: {  	s7 =	sld [smem:$0x3F9D]  }
0x1a: {  	s8 =	sadd.s32 $0xFFFFE003, lr  }
0x1b: {  	s9 =	sadd.s32 $0xFFFFFEF7, lr;
	s5 =	simm.s32 $0xFFFFFFFF;
	p2 =	slt.u32 s8, $0xFFFFF086  }
0x1c: {  	p1 =	slt.u32 s9, $0xF7A;
	s5 =	simm.s32 @!p2 $0x0  }
0x1d: {  	s5 =	simm.s32 @p1 $0x1;
	p0 =	seq.s32 s7, s2  }
0x1e: {  	s7 =	smul.u32 @!p0 $0xF7A, s2;
	p2 =	seq.s32 @!p0 s5, $0x0  }
0x1f: {  	s9 =	smul.u32 $0xF7A, s1;
	s8 =	simm.s32 @!p0 $0x1BF5;
	p2 =	por !p2, p0  }
0x20: {  	[sflag:s8] =	ssyncset.s32 @!p0 $0xFFFFF086;
	s6 =	sadd.s32 @!p0 s3, s7;
	s7 =	simm.s32 @!p0 $0x108  }
0x21: {  	s3 =	sadd.s32 s3, s9;
	s6 =	sadd.s32 @!p0 $0x88, s6;
	s7 =	simm.s32 @p2 $0x1082  }
0x22: {  	[simem:s7], [sflag:s8] =	dma.local @!p0 [hbm:s6], $0xF7A  }
0x23: {  	s9 =	sor.u32 $0xD0000000, s2;
	s6 =	simm.s32 $0x108;
	_ =	swait.ge @!p0 [sflag:s8], $0x0  }
0x24: {  	s3 =	sadd.s32 $0x88, s3;
	s6 =	simm.s32 @!p1 $0x1082;
	[sflag:s4] =	ssyncset.s32 $0xFFFFF086  }
0x25: {  	[simem:s6], [sflag:s4] =	dma.local [hbm:s3], $0xF7A  }
0x26: {  	[smem:$0x3F9D] =	sst s1;
	(tag) =	ssettag s2;
	_ =	strace s9  }
0x27: {  	s1 =	sld [smem:$0x3FAD]  }
0x28: {  	s2 =	sld [smem:$0x3FAE]  }
0x29: {  	s4 =	sld [smem:$0x3FB0]  }
0x2a: {  	p0 =	seq.s32 s5, $0x0;
	s5 =	sld [smem:$0x3FB1]  }
0x2b: {  	s6 =	sld [smem:$0x3FB2]  }
0x2c: {  	s7 =	sld [smem:$0x3FB3]  }
0x2d: {  	s3 =	simm.s32 $0x108;
	s8 =	sld [smem:$0x3FB4]  }
0x2e: {  	s3 =	simm.s32 @!p0 $0x1082;
	s9 =	sld [smem:$0x3FB5]  }
0x2f: {  	lr =	sadd.s32 s0, s3;
	s0 =	sld [smem:$0x3FAC]  }
0x30: {  	s3 =	sld [smem:$0x3FAF]  }
0x31: {  	[smem:$0x3FB8] =	sst s10  }
0x32: {  	s10 =	sld [smem:$0x3FB6];
	_ =	sdelay $0x3  }
0x33: {  	p0 =	seq.s32 s10, $0x1;
	s10 =	sld [smem:$0x3FB8];
	_ =	sdelay $0x3  }
0x34: {  	[smem:$0x3FB8] =	sst s10  }
0x35: {  	s10 =	sld [smem:$0x3FB7];
	_ =	sdelay $0x3  }
0x36: {  	p1 =	seq.s32 s10, $0x1;
	s10 =	sld [smem:$0x3FB8];
	_ =	sdelay $0x3  }
0x37: {  	[smem:$0x3FB8] =	sst s10  }
0x38: {  	s10 =	sld [smem:$0x3FB9]  }
0x39: {  	_ = 	snop;
	(pc) =	sbr.ind lr, $3  }
0x3a: {  	_ = 	snop  }
0x3b: {  	_ = 	snop  }
0x3c: {  	p2 =	seq.s32 s10, $0x1;
	s10 =	sld [smem:$0x3FB8]  }
0x3d: {  	_ =	shalt  }
0x3e: {  	_ =	shalt  }
0x3f: {  	_ =	shalt  }
0x40: {  	_ =	shalt  }
0x41: {  	_ =	shalt  }
0x42: {  	_ =	shalt  }
0x43: {  	_ =	shalt  }
0x44: {  	_ =	shalt  }
0x45: {  	_ =	shalt  }
0x46: {  	_ =	shalt  }
0x47: {  	_ =	shalt  }
0x48: {  	_ =	shalt  }
0x49: {  	_ =	shalt  }
0x4a: {  	_ =	shalt  }
0x4b: {  	_ =	shalt  }
0x4c: {  	_ =	shalt  }
0x4d: {  	_ =	shalt  }
0x4e: {  	_ =	shalt  }
0x4f: {  	_ =	shalt  }
0x50: {  	_ =	shalt  }
0x51: {  	_ =	shalt  }
0x52: {  	_ =	shalt  }
0x53: {  	_ =	shalt  }
0x54: {  	_ =	shalt  }
0x55: {  	_ =	shalt  }
0x56: {  	_ =	shalt  }
0x57: {  	_ =	shalt  }
0x58: {  	_ =	shalt  }
0x59: {  	_ =	shalt  }
0x5a: {  	_ =	shalt  }
0x5b: {  	_ =	shalt  }
0x5c: {  	_ =	shalt  }
0x5d: {  	_ =	shalt  }
0x5e: {  	_ =	shalt  }
0x5f: {  	_ =	shalt  }
0x60: {  	_ =	shalt  }
0x61: {  	_ =	shalt  }
0x62: {  	_ =	shalt  }
0x63: {  	_ =	shalt  }
0x64: {  	_ =	shalt  }
0x65: {  	_ =	shalt  }
0x66: {  	_ =	shalt  }
0x67: {  	_ =	shalt  }
0x68: {  	_ =	shalt  }
0x69: {  	_ =	shalt  }
0x6a: {  	_ =	shalt  }
0x6b: {  	_ =	shalt  }
0x6c: {  	_ =	shalt  }
0x6d: {  	_ =	shalt  }
0x6e: {  	_ =	shalt  }
0x6f: {  	_ =	shalt  }
0x70: {  	_ =	shalt  }
0x71: {  	_ =	shalt  }
0x72: {  	_ =	shalt  }
0x73: {  	_ =	shalt  }
0x74: {  	_ =	shalt  }
0x75: {  	_ =	shalt  }
0x76: {  	_ =	shalt  }
0x77: {  	_ =	shalt  }
0x78: {  	_ =	shalt  }
0x79: {  	_ =	shalt  }
0x7a: {  	_ =	shalt  }
0x7b: {  	_ =	shalt  }
0x7c: {  	_ =	shalt  }
0x7d: {  	_ =	shalt  }
0x7e: {  	_ =	shalt  }
0x7f: {  	_ =	shalt  }
0x80: {  	_ =	shalt  }
0x81: {  	_ =	shalt  }
0x82: {  	_ =	shalt  }
0x83: {  	_ =	shalt  }
0x84: {  	_ =	shalt  }
0x85: {  	_ =	shalt  }
0x86: {  	_ =	shalt  }
0x87: {  	_ =	shalt  }
.Lfunc_end0:
.L_simem_size_0:
called_computation_lowered:
.L_overlay_start_0:
0x88: {  	s2 =	sld [smem:$0x3FD9]  }
0x89: {  	s3 =	sld [smem:$0x3FFE];
	_ =	sdelay $0x1  }
0x8a: {  	s1 =	srdreg.scid  }
0x8b: {  	s0 =	sand.u32 $0x1, s1  }
0x8c: {  	s17 =	sshll.u32 s0, $0xA;
	s2 =	sadd.s32 s3, s2  }
0x8d: {  	s2 =	sadd.s32 s2, s17  }
0x8e: {  	[smem:$0x3FC4] =	sst s2  }
0x8f: {  	_ = 	snop  }
0x90: {  	s2 =	sld [smem:$0x3FD0];
	(tm) =	ssettm $0x1  }
0x91: {  	s18 =	sld [smem:$0x3FFB];
	_ =	sdelay $0x3  }
0x92: {  	_ =	strace s18  }
0x93: {  	s3 =	sld [smem:$0x3FFC];
	_ =	sdelay $0x3  }
0x94: {  	_ =	strace s3  }
0x95: {  	s3 =	sld [smem:$0x3FFD];
	_ =	sdelay $0x3  }
0x96: {  	_ =	strace s3  }
0x97: {  	_ =	strace $0x8FFFFFFF  }
0x98: {  	s19 =	sld [smem:$0x3FDB];
	_ =	sdelay $0x1  }
0x99: {  	s4 =	simm.s32 $_scs_section_size  }
0x9a: {  	s5 =	simm.s32 $_size__tile_overlayer_lowered;
	s6 =	simm.s32 $_tile_overlayer_lowered  }
0x9b: {  	s22 =	simm.s32 $0x1BFF;
	s21 =	sshll.u32 s6, $0x1;
	s3 =	sadd.s32 s4, s19  }
0x9c: {  	s7 =	simm.s32 $0x0;
	s20 =	sshll.u32 s5, $0x1;
	s5 =	sadd.s32 s21, s3  }
0x9d: {  	[timem:s7], [sflag:s22] =	dma.local [hbm:s5], s20  }
0x9e: {  	_ =	swait.ge [sflag:s22], s20  }
0x9f: {  	s4 =	ssub.s32 $0x0, s20;
	[sflag:s22] =	ssyncset.done $0x0  }
0xa0: {  	[sflag:s22] =	ssyncadd.s32 s4;
	_ =	sdelay $0x1  }
0xa1: {  	s23 =	simm.s32 $0x1B8B  }
0xa2: {  	_ =	swait.ge [sflag:s23], $0x1  }
0xa3: {  	[sflag:s23] =	ssyncset.done $0x0  }
0xa4: {  	s25 =	simm.s32 $0x1B8E;
	s24 =	sld [smem:$0x3FFE];
	[sflag:s23] =	ssyncadd.s32 $0xFFFFFFFF  }
0xa5: {  	s26 =	simm.s32 $execute0_lowered;
	[smem:$0x3FD2] =	sst s25  }
0xa6: {  	s5 =	sshll.u32 s26, $0x1;
	_ =	strace $0x80000046;
	[dreg:$0x1] =	wrdreg $0xFFFFFFFF  }
0xa7: {  	s28 =	simm.s32 $_size_execute0_lowered;
	s3 =	sadd.s32 s3, s5;
	[dreg:$0x0] =	wrdreg $0x0  }
0xa8: {  	s5 =	sshll.u32 s28, $0x1;
	[dreg:$0x2] =	wrdreg s3  }
0xa9: {  	[dreg:$0x3] =	wrdreg s5  }
0xaa: {  	[dreg:$0x4] =	wrdreg $0xC0  }
0xab: {  	_ =	task [dreg:s7], $0x5FFFF  }
0xac: {  	[dreg:$0x1] =	wrdreg $0xFFFFFFFF  }
0xad: {  	[dreg:$0x0] =	wrdreg $0x60  }
0xae: {  	[dreg:$0x2] =	wrdreg s24  }
0xaf: {  	[dreg:$0x3] =	wrdreg s2  }
0xb0: {  	[dreg:$0x4] =	wrdreg $0x9  }
0xb1: {  	_ =	task.clear_ibuf [dreg:s7], $0x5FFFF;
	_ =	strace $0x90000046  }
0xb2: {  	s29 =	simm.s32 $0x9;
	_ =	strace $0x80000048  }
0xb3: {  	_ =	swait.ge [sflag:s29], $0x1  }
0xb4: {  	[sflag:s29] =	ssyncadd.s32 $0xFFFFFFFF  }
0xb5: {  	_ =	strace $0x90000048  }
0xb6: {  	_ =	sfence  }
0xb7: {  	s30 =	sld [smem:$0x0];
	_ =	sdelay $0x2  }
0xb8: {  	s31 =	sshll.u32 s1, $0xD;
	s1 =	sshrl.u32 s1, $0x2  }
0xb9: {  	s3 =	sand.u32 $0x4000, s31;
	s1 =	sadd.s32 s1, s30  }
0xba: {  	s0 =	sor.u32 s3, s0;
	s1 =	sshll.u32 s1, $0x11  }
0xbb: {  	s0 =	sor.u32 s1, s0  }
0xbc: {  	s0 =	sadd.s32 $0x8F2B, s0  }
0xbd: {  	[sflag:s0] =	ssyncadd.remote.s32 $0x1  }
0xbe: {  	_ =	sfence.sel $0xFFFF  }
0xbf: {  	[dreg:$0x0] =	wrdreg $0xFFFFFFFF;
	(pc) =	sbr.abs _section_cstart, $3  }
0xc0: {  	[dreg:$0x1] =	wrdreg $0xFFFFFFFF  }
0xc1: {  	_ =	task.clear_ibuf [dreg:s7], $0x2FFFF;
	_ =	strace $0x9FFFFFFF  }
0xc2: {  	(tm) =	ssettm $0x7FFFFFFF  }
0xc3: {  	_ =	shalt  }
tec
execute0_lowered:
.L_overlay_start_1:
0x0: {  	(tag) =	ssettag $0x1  }
0x1: {  	s0 =	stileid.u32;
	s5 =	rddreg [dreg:$0x0]  }
0x2: {  	s1 =	srdreg.scid;
	s2 =	rddreg [dreg:$0x1]  }
0x3: {  	s3 =	simm.s32 $0x0;
	s13 =	simm.s32 $0x18C00;
	s14 =	simm.s32 $0x0  }
0x4: {  	s7 =	sshrl.u32 s0, $0x1;
	s6 =	sand.u32 $0x1, s1;
	s1 =	rddreg [dreg:$0x2]  }
0x5: {  	[smem:$0x7FF] =	sst s3;
	s12 =	sshll.u32 s0, $0x5;
	s4 =	smul.u32 $0x186A0, s7  }
0x6: {  	s8 =	smul.u32 $0xC350, s6;
	_ =	strace $0x80000047;
	s9 =	ssub.s32 $0x2, s6  }
0x7: {  	s6 =	sshll.u32 s6, $0x4;
	s11 =	smul.u32 $0xC0000, s7;
	s10 =	sshrl.u32 s9, $0x1  }
0x8: {  	s6 =	sadd.s32 s6, s5;
	s8 =	sadd.s32 s8, s4;
	s4 =	sadd.s32 $0x600, s5  }
0x9: {  	s9 =	ssub.s32 s9, s10;
	s10 =	sand.u32 $0x1, s0;
	s11 =	sadd.s32 $0x80000, s11  }
0xa: {  	v1 =	vlaneseq.u32;
	s12 =	sadd.s32 s12, s6;
	s8 =	sshrl.u32 s8, $0x3;
	p0 =	seq.s32 s10, $0x1  }
0xb: {  	v1 =	vmul.u32 $0x5, v1;
	v0 =	vmov s7;
	p1 =	seq.s32 s10, $0x0;
	s7 =	sadd.s32 $0xC0600, s12;
	v2 =	vmov s11;
	s11 =	simm.s32 $0x80  }
0xc: {  	v3 =	vimm.s32 $0x0;
	v4 =	vimm.f32 $0.0e+00;
	s12 =	simm.s32 $0x1;
	s8 =	sadd.s32 s8, s5;
	p2 =	seq.s32 @!p0 s10, $0x0  }
0xd: {  	vm0 =	vcmask $0x704;
	vm1 =	vcmask $0x3F04;
	v5 =	vadd.s32 $0x1, v1;
	s10 =	simm.s32 $0x2;
	s5 =	sadd.s32 $0x271600, s8;
	s6 =	sadd.s32 $0x289E00, s8  }
0xe: {  	v6 =	vadd.s32 $0x2, v1;
	v7 =	vadd.s32 $0x3, v1;
	v8 =	vadd.s32 $0x4, v1;
	s8 =	smax.u32 s9, $0x1;
	s9 =	simm.s32 $0x18B80;
	p2 =	por p0, !p2  }
.LBB2_1:
0xf: {  	[tilespmem:s9], [sflag:$0x2] =	stream.linear.gather [hbm4b:s2+s3], $0x80, $0x38;
	[tilespmem:$0x18C80] =	vst v63  }
0x10: {  	_ =	swait.ge [sflag:s10], $0x80  }
0x11: {  	[sflag:s10] =	ssyncset.done $0x0  }
0x12: {  	s15 =	simm.s32 @!p0 $0x0;
	[sflag:s10] =	ssyncadd.s32 $0xFFFFFF80  }
0x13: {  	[tilespmem:s15], [sflag:$0x2] =	stream.linear.gather @!p0 [hbm4b:s5+s15], $0xC350, $0x38;
	[tilespmem:$0x18C80] =	vst v63  }
0x14: {  	s15 =	simm.s32 @!p0 $0x2  }
0x15: {  	_ =	swait.ge @!p0 [sflag:s15], $0xC350  }
0x16: {  	[sflag:s15] =	ssyncset.done @!p0 $0x0  }
0x17: {  	[sflag:s15] =	ssyncadd.s32 @!p0 $0xFFFF3CB0  }
0x18: {  	[tilespmem:s3], [sflag:$0x2] =	stream.linear.gather @p2 [hbm4b:s6+s3], $0xC350, $0x38;
	[tilespmem:$0x18C80] =	vst v63  }
0x19: {  	_ =	swait.ge @p2 [sflag:s10], $0xC350  }
0x1a: {  	[sflag:s10] =	ssyncset.done @p2 $0x0  }
0x1b: {  	[sflag:s10] =	ssyncadd.s32 @p2 $0xFFFF3CB0  }
0x1c: {  	v9 =	vld.idx.msk [tilespmem:v0+s9+$0x0], $0xffff;
	[tilespmem:$0xEA90] =	vst v3  }
0x1d: {  	[tilespmem:$0x11290] =	vst v3  }
0x1e: {  	[tilespmem:$0x18A90] =	vst v4  }
0x1f: {  	[tilespmem:$0xEAA0] =	vst v3  }
0x20: {  	[tilespmem:$0x112A0] =	vst v3  }
0x21: {  	[tilespmem:$0x18AA0] =	vst v4  }
0x22: {  	[tilespmem:$0xEAB0] =	vst v3  }
0x23: {  	[tilespmem:$0x112B0] =	vst v3  }
0x24: {  	[tilespmem:$0x18AB0] =	vst v4  }
0x25: {  	[tilespmem:$0xEAC0] =	vst v3  }
0x26: {  	[tilespmem:$0x112C0] =	vst v3  }
0x27: {  	[tilespmem:$0x18AC0] =	vst v4  }
0x28: {  	[tilespmem:$0xEAD0] =	vst v3  }
0x29: {  	[tilespmem:$0x112D0] =	vst v3  }
0x2a: {  	[tilespmem:$0x18AD0] =	vst v4  }
0x2b: {  	[tilespmem:$0xEAE0] =	vst v3  }
0x2c: {  	[tilespmem:$0x112E0] =	vst v3  }
0x2d: {  	[tilespmem:$0x18AE0] =	vst v4  }
0x2e: {  	[tilespmem:$0xEAF0] =	vst v3  }
0x2f: {  	[tilespmem:$0x112F0] =	vst v3  }
0x30: {  	[tilespmem:$0x18AF0] =	vst v4  }
0x31: {  	[tilespmem:$0xEB00] =	vst v3  }
0x32: {  	[tilespmem:$0x11300] =	vst v3  }
0x33: {  	[tilespmem:$0x18B00] =	vst v4  }
0x34: {  	[tilespmem:$0xEB10] =	vst v3  }
0x35: {  	[tilespmem:$0x11310] =	vst v3  }
0x36: {  	[tilespmem:$0x18B10] =	vst v4  }
0x37: {  	[tilespmem:$0xEB20] =	vst v3  }
0x38: {  	[tilespmem:$0x11320] =	vst v3  }
0x39: {  	[tilespmem:$0x18B20] =	vst v4  }
0x3a: {  	[tilespmem:$0xEB30] =	vst v3  }
0x3b: {  	[tilespmem:$0x11330] =	vst v3  }
0x3c: {  	[tilespmem:$0x18B30] =	vst v4  }
0x3d: {  	[tilespmem:$0xEB40] =	vst v3  }
0x3e: {  	[tilespmem:$0x11340] =	vst v3  }
0x3f: {  	[tilespmem:$0x18B40] =	vst v4  }
0x40: {  	[tilespmem:$0xEB50] =	vst v3  }
0x41: {  	[tilespmem:$0x11350] =	vst v3  }
0x42: {  	[tilespmem:$0x18B50] =	vst v4  }
0x43: {  	s15 =	simm.s32 $0x0;
	[tilespmem:$0xEB60] =	vst v3  }
0x44: {  	v10 =	vadd.s32 s15, v1;
	[tilespmem:$0x11360] =	vst v3  }
0x45: {  	v11 =	vadd.s32 s15, v7;
	[tilespmem:$0x18B60] =	vst v4  }
0x46: {  	[tilespmem:$0xEB70] =	vst v3  }
0x47: {  	v12 =	vadd.s32 s15, v5;
	[tilespmem:$0x11370] =	vst v3  }
0x48: {  	[tilespmem:$0x18B70] =	vst v4  }
0x49: {  	v10 =	vld.idx.msk [tilespmem:v10+s15+$0x0], $0xffff  }
0x4a: {  	v13 =	vadd.s32 s15, v6;
	v11 =	vld.idx.msk [tilespmem:v11+s15+$0x0], $0xffff;
	_ =	sdelay $0x1  }
0x4b: {  	v12 =	vld.idx.msk [tilespmem:v12+s15+$0x0], $0xffff;
	_ =	sdelay $0x2  }
0x4c: {  	s17 =	simm.s32 $0xC380;
	s16 =	simm.s32 $0xEB80;
	s20 =	simm.s32 $0x16380;
	v14 =	vmul.f32 $5.120000000e+02, v10;
	v10 =	vmul.f32 $5.120000000e+02, v11;
	v11 =	vld.idx.msk [tilespmem:v13+s15+$0x0], $0xffff  }
0x4d: {  	s19 =	simm.s32 $0x50;
	s25 =	simm.s32 $0xA0;
	s18 =	simm.s32 $0x16390;
	vm2 =	veq.s32 v9, $0x0  }
0x4e: {  	s23 =	simm.s32 $0x0;
	s22 =	simm.s32 $0xC380;
	s21 =	simm.s32 $0xEB80;
	v9 =	vadd.s32 s19, v5;
	v12 =	vmul.f32 $5.120000000e+02, v12;
	v13 =	vtrunc.f32 v14  }
.LBB2_2:
0x4f: {  	s17 =	sadd.s32 $0x10, s17;
	s16 =	sadd.s32 $0x10, s16  }
0x50: {  	v14 =	vadd.s32 s23, v8;
	v13 =	vcvt.f32.s32 v13;
	s23 =	smov.u32 s19;
	s19 =	smov.u32 s25;
	s24 =	sadd.s32 $0x50, s25  }
0x51: {  	p3 =	sne.s32 s25, $0xC300;
	v11 =	vmul.f32 $5.120000000e+02, v11;
	v15 =	vadd.s32 s23, v1;
	v12 =	vtrunc.f32 v12  }
0x52: {  	v10 =	vtrunc.f32 v10;
	vm3 =	vgt.s32 v13, $0x0;
	v12 =	vcvt.f32.s32 v12  }
0x53: {  	v10 =	vcvt.f32.s32 v10;
	v11 =	vtrunc.f32 v11;
	v13 =	vnsel vm3, $0x0, v13  }
0x54: {  	v11 =	vcvt.f32.s32 v11;
	v13 =	vmin.u32 v13, $0x1FF;
	vm3 =	vgt.s32 v12, $0x0  }
0x55: {  	v12 =	vnsel vm3, $0x0, v12;
	v13 =	vshll.u32 v13, $0x9;
	vm3 =	vgt.s32 v10, $0x0  }
0x56: {  	vm4 =	vgt.s32 v11, $0x0;
	v12 =	vmin.u32 v12, $0x1FF;
	v10 =	vnsel vm3, $0x0, v10  }
0x57: {  	v11 =	vnsel vm4, $0x0, v11;
	v14 =	vld.idx.msk [tilespmem:v14+s15+$0x0], $0xffff;
	v16 =	vxor.u32 $0x1FF, v12;
	v10 =	vmin.u32 v10, $0x1FF  }
0x58: {  	v11 =	vmin.u32 v11, $0x1FF;
	v12 =	vsel vm2, v12, v16;
	v16 =	vxor.u32 $0x1FF, v10  }
0x59: {  	v11 =	vshll.u32 v11, $0x9;
	v12 =	vor.u32 v13, v12;
	v10 =	vsel vm2, v10, v16  }
0x5a: {  	v13 =	vadd.s32 s23, v7;
	v12 =	vor.u32 v2, v12;
	v10 =	vor.u32 v11, v10  }
0x5b: {  	[tilespmem:s22+$0x0] =	vst v12;
	v10 =	vor.u32 v2, v10;
	s22 =	smov.u32 s17  }
0x5c: {  	v11 =	vadd.s32 s23, v6;
	[tilespmem:s21+$0x0] =	vst v10;
	s21 =	smov.u32 s16  }
0x5d: {  	[tilespmem:s20+$0x0] =	vst v14;
	s20 =	smov.u32 s18  }
0x5e: {  	v10 =	vld.idx.msk [tilespmem:v15+s15+$0x0], $0xffff  }
0x5f: {  	v12 =	vld.idx.msk [tilespmem:v13+s15+$0x0], $0xffff  }
0x60: {  	v14 =	vld.idx.msk [tilespmem:v9+s15+$0x0], $0xffff  }
0x61: {  	v11 =	vld.idx.msk [tilespmem:v11+s15+$0x0], $0xffff  }
.Ltmp0:
0x62: {  	(pc) =	sbr.rel @p3 .LBB2_2-.Ltmp0, $4  }
0x63: {  	_ = 	snop  }
0x64: {  	v13 =	vmul.f32 $5.120000000e+02, v10  }
0x65: {  	v9 =	vadd.s32 s19, v5;
	v10 =	vmul.f32 $5.120000000e+02, v12  }
0x66: {  	s25 =	smov.u32 s24;
	s18 =	sadd.s32 $0x10, s18;
	v13 =	vtrunc.f32 v13;
	v12 =	vmul.f32 $5.120000000e+02, v14  }
0x67: {  	v14 =	vadd.s32 s23, v8;
	v13 =	vcvt.f32.s32 v13  }
0x68: {  	v15 =	vadd.s32 s19, v1;
	v11 =	vmul.f32 $5.120000000e+02, v11;
	v12 =	vtrunc.f32 v12  }
0x69: {  	v10 =	vtrunc.f32 v10;
	vm3 =	vgt.s32 v13, $0x0;
	v12 =	vcvt.f32.s32 v12  }
0x6a: {  	v10 =	vcvt.f32.s32 v10;
	v11 =	vtrunc.f32 v11;
	v13 =	vnsel vm3, $0x0, v13  }
0x6b: {  	v11 =	vcvt.f32.s32 v11;
	v13 =	vmin.u32 v13, $0x1FF;
	vm3 =	vgt.s32 v12, $0x0  }
0x6c: {  	v12 =	vnsel vm3, $0x0, v12;
	v13 =	vshll.u32 v13, $0x9;
	vm3 =	vgt.s32 v10, $0x0  }
0x6d: {  	vm4 =	vgt.s32 v11, $0x0;
	v12 =	vmin.u32 v12, $0x1FF;
	v10 =	vnsel vm3, $0x0, v10  }
0x6e: {  	v11 =	vnsel vm4, $0x0, v11;
	v16 =	vxor.u32 $0x1FF, v12;
	v10 =	vmin.u32 v10, $0x1FF  }
0x6f: {  	v14 =	vld.idx.msk [tilespmem:v14+s15+$0x0], $0xffff;
	v11 =	vmin.u32 v11, $0x1FF;
	v12 =	vsel vm2, v12, v16;
	v60 =	vxor.u32 $0x1FF, v10  }
0x70: {  	v11 =	vshll.u32 v11, $0x9;
	v12 =	vor.u32 v13, v12;
	v10 =	vsel vm2, v10, v60  }
0x71: {  	v12 =	vor.u32 v2, v12;
	v10 =	vor.u32 v11, v10  }
0x72: {  	[tilespmem:s22+$0x0] =	vst v12;
	v10 =	vor.u32 v2, v10  }
0x73: {  	v11 =	vadd.s32 s19, v7;
	[tilespmem:s21+$0x0] =	vst v10  }
0x74: {  	v10 =	vadd.s32 s19, v6;
	[tilespmem:s20+$0x0] =	vst v14  }
0x75: {  	v12 =	vld.idx.msk [tilespmem:v15+s15+$0x0], $0xffff;
	_ =	sdelay $0x1  }
0x76: {  	v9 =	vld.idx.msk [tilespmem:v9+s15+$0x0], $0xffff  }
0x77: {  	v11 =	vld.idx.msk [tilespmem:v11+s15+$0x0], $0xffff  }
0x78: {  	v10 =	vld.idx.msk [tilespmem:v10+s15+$0x0], $0xffff  }
0x79: {  	v12 =	vmul.f32 $5.120000000e+02, v12;
	_ =	sdelay $0x1  }
0x7a: {  	v9 =	vmul.f32 $5.120000000e+02, v9;
	v12 =	vtrunc.f32 v12  }
0x7b: {  	v11 =	vmul.f32 $5.120000000e+02, v11;
	v12 =	vcvt.f32.s32 v12  }
0x7c: {  	v61 =	vadd.s32 s19, v8;
	v9 =	vtrunc.f32 v9;
	v10 =	vmul.f32 $5.120000000e+02, v10  }
0x7d: {  	v9 =	vcvt.f32.s32 v9;
	v11 =	vtrunc.f32 v11;
	vm3 =	vgt.s32 v12, $0x0  }
0x7e: {  	v11 =	vcvt.f32.s32 v11;
	v10 =	vtrunc.f32 v10;
	v12 =	vnsel vm3, $0x0, v12  }
0x7f: {  	vm3 =	vgt.s32 v9, $0x0;
	v10 =	vcvt.f32.s32 v10;
	v12 =	vmin.u32 v12, $0x1FF  }
0x80: {  	v9 =	vnsel vm3, $0x0, v9;
	vm3 =	vgt.s32 v11, $0x0;
	v12 =	vshll.u32 v12, $0x9  }
0x81: {  	v9 =	vmin.u32 v9, $0x1FF;
	vm15 =	vgt.s32 v10, $0x0;
	v11 =	vnsel vm3, $0x0, v11  }
0x82: {  	v62 =	vxor.u32 $0x1FF, v9;
	v10 =	vnsel vm15, $0x0, v10;
	v11 =	vmin.u32 v11, $0x1FF  }
0x83: {  	v13 =	vld.idx.msk [tilespmem:v61+s15+$0x0], $0xffff;
	v9 =	vsel vm2, v9, v62;
	v10 =	vmin.u32 v10, $0x1FF;
	v63 =	vxor.u32 $0x1FF, v11  }
0x84: {  	v9 =	vor.u32 v12, v9;
	v11 =	vsel vm2, v11, v63;
	v10 =	vshll.u32 v10, $0x9  }
0x85: {  	s26 =	sadd.s32 $0x10, s17;
	v9 =	vor.u32 v2, v9;
	v10 =	vor.u32 v10, v11  }
0x86: {  	s16 =	sadd.s32 $0x10, s16;
	[tilespmem:s26+$0x0] =	vst v9;
	v9 =	vor.u32 v2, v10  }
0x87: {  	[tilespmem:s16+$0x0] =	vst v9  }
0x88: {  	s28 =	simm.s32 $0x11380;
	s29 =	simm.s32 $0xC380;
	[tilespmem:s18+$0x0] =	vst v13  }
0x89: {  	[tilespmem:s28], [sflag:$0x1] =	stream.indirect.gather [hbm4b:s4+s11], $0x1, s29, s11, $0xb8;
	[tilespmem:$0x18C80] =	vst v63  }
0x8a: {  	s30 =	simm.s32 $0x13B80;
	s31 =	simm.s32 $0xEB80  }
0x8b: {  	[tilespmem:s30], [sflag:$0x1] =	stream.indirect.gather [hbm4b:s4+s11], $0x1, s31, s11, $0xb8;
	[tilespmem:$0x18C80] =	vst v63  }
0x8c: {  	s17 =	simm.s32 $0x11400;
	s18 =	simm.s32 $0xC400  }
0x8d: {  	[tilespmem:s17], [sflag:$0x1] =	stream.indirect.gather [hbm4b:s4+s11], $0x1, s18, s11, $0xb8;
	[tilespmem:$0x18C80] =	vst v63  }
0x8e: {  	s19 =	simm.s32 $0x13C00;
	s20 =	simm.s32 $0xEC00  }
0x8f: {  	[tilespmem:s19], [sflag:$0x1] =	stream.indirect.gather [hbm4b:s4+s11], $0x1, s20, s11, $0xb8;
	[tilespmem:$0x18C80] =	vst v63  }
0x90: {  	s22 =	simm.s32 $0xC480;
	s21 =	simm.s32 $0x11480  }
0x91: {  	[tilespmem:s21], [sflag:$0x1] =	stream.indirect.gather [hbm4b:s4+s11], $0x1, s22, s11, $0xb8;
	[tilespmem:$0x18C80] =	vst v63  }
0x92: {  	s23 =	simm.s32 $0x13C80;
	s24 =	simm.s32 $0xEC80  }
0x93: {  	[tilespmem:s23], [sflag:$0x1] =	stream.indirect.gather [hbm4b:s4+s11], $0x1, s24, s11, $0xb8;
	[tilespmem:$0x18C80] =	vst v63  }
0x94: {  	s25 =	simm.s32 $0x11500;
	s26 =	simm.s32 $0xC500  }
0x95: {  	[tilespmem:s25], [sflag:$0x1] =	stream.indirect.gather [hbm4b:s4+s11], $0x1, s26, s11, $0xb8;
	[tilespmem:$0x18C80] =	vst v63  }
0x96: {  	s28 =	simm.s32 $0x13D00;
	s29 =	simm.s32 $0xED00  }
0x97: {  	[tilespmem:s28], [sflag:$0x1] =	stream.indirect.gather [hbm4b:s4+s11], $0x1, s29, s11, $0xb8;
	[tilespmem:$0x18C80] =	vst v63  }
0x98: {  	s30 =	simm.s32 $0x11580;
	s31 =	simm.s32 $0xC580  }
0x99: {  	[tilespmem:s30], [sflag:$0x1] =	stream.indirect.gather [hbm4b:s4+s11], $0x1, s31, s11, $0xb8;
	[tilespmem:$0x18C80] =	vst v63  }
0x9a: {  	s17 =	simm.s32 $0x13D80;
	s18 =	simm.s32 $0xED80  }
0x9b: {  	[tilespmem:s17], [sflag:$0x1] =	stream.indirect.gather [hbm4b:s4+s11], $0x1, s18, s11, $0xb8;
	[tilespmem:$0x18C80] =	vst v63  }
0x9c: {  	s19 =	simm.s32 $0x11600;
	s20 =	simm.s32 $0xC600  }
0x9d: {  	[tilespmem:s19], [sflag:$0x1] =	stream.indirect.gather [hbm4b:s4+s11], $0x1, s20, s11, $0xb8;
	[tilespmem:$0x18C80] =	vst v63  }
0x9e: {  	s21 =	simm.s32 $0x13E00;
	s22 =	simm.s32 $0xEE00  }
0x9f: {  	[tilespmem:s21], [sflag:$0x1] =	stream.indirect.gather [hbm4b:s4+s11], $0x1, s22, s11, $0xb8;
	[tilespmem:$0x18C80] =	vst v63  }
0xa0: {  	s23 =	simm.s32 $0x11680;
	s24 =	simm.s32 $0xC680  }
0xa1: {  	[tilespmem:s23], [sflag:$0x1] =	stream.indirect.gather [hbm4b:s4+s11], $0x1, s24, s11, $0xb8;
	[tilespmem:$0x18C80] =	vst v63  }
0xa2: {  	s25 =	simm.s32 $0x13E80;
	s26 =	simm.s32 $0xEE80  }
0xa3: {  	[tilespmem:s25], [sflag:$0x1] =	stream.indirect.gather [hbm4b:s4+s11], $0x1, s26, s11, $0xb8;
	[tilespmem:$0x18C80] =	vst v63  }
0xa4: {  	s28 =	simm.s32 $0x11700;
	s29 =	simm.s32 $0xC700  }
0xa5: {  	[tilespmem:s28], [sflag:$0x1] =	stream.indirect.gather [hbm4b:s4+s11], $0x1, s29, s11, $0xb8;
	[tilespmem:$0x18C80] =	vst v63  }
0xa6: {  	s30 =	simm.s32 $0x13F00;
	s31 =	simm.s32 $0xEF00  }
0xa7: {  	[tilespmem:s30], [sflag:$0x1] =	stream.indirect.gather [hbm4b:s4+s11], $0x1, s31, s11, $0xb8;
	[tilespmem:$0x18C80] =	vst v63  }
0xa8: {  	_ =	swait.ge [sflag:s12], $0x80  }
0xa9: {  	[sflag:s12] =	ssyncset.done $0x0  }
0xaa: {  	[sflag:s12] =	ssyncadd.s32 $0xFFFFFF80  }
0xab: {  	_ =	swait.ge [sflag:s12], $0x80  }
0xac: {  	[sflag:s12] =	ssyncset.done $0x0  }
0xad: {  	[sflag:s12] =	ssyncadd.s32 $0xFFFFFF80  }
0xae: {  	_ =	swait.ge [sflag:s12], $0x80  }
0xaf: {  	[sflag:s12] =	ssyncset.done $0x0  }
0xb0: {  	[sflag:s12] =	ssyncadd.s32 $0xFFFFFF80  }
0xb1: {  	_ =	swait.ge [sflag:s12], $0x80  }
0xb2: {  	[sflag:s12] =	ssyncset.done $0x0  }
0xb3: {  	[sflag:s12] =	ssyncadd.s32 $0xFFFFFF80  }
0xb4: {  	_ =	swait.ge [sflag:s12], $0x80  }
0xb5: {  	[sflag:s12] =	ssyncset.done $0x0  }
0xb6: {  	[sflag:s12] =	ssyncadd.s32 $0xFFFFFF80  }
0xb7: {  	_ =	swait.ge [sflag:s12], $0x80  }
0xb8: {  	[sflag:s12] =	ssyncset.done $0x0  }
0xb9: {  	[sflag:s12] =	ssyncadd.s32 $0xFFFFFF80  }
0xba: {  	_ =	swait.ge [sflag:s12], $0x80  }
0xbb: {  	[sflag:s12] =	ssyncset.done $0x0  }
0xbc: {  	[sflag:s12] =	ssyncadd.s32 $0xFFFFFF80  }
0xbd: {  	_ =	swait.ge [sflag:s12], $0x80  }
0xbe: {  	[sflag:s12] =	ssyncset.done $0x0  }
0xbf: {  	[sflag:s12] =	ssyncadd.s32 $0xFFFFFF80  }
0xc0: {  	_ =	swait.ge [sflag:s12], $0x80  }
0xc1: {  	[sflag:s12] =	ssyncset.done $0x0  }
0xc2: {  	[sflag:s12] =	ssyncadd.s32 $0xFFFFFF80  }
0xc3: {  	_ =	swait.ge [sflag:s12], $0x80  }
0xc4: {  	[sflag:s12] =	ssyncset.done $0x0  }
0xc5: {  	[sflag:s12] =	ssyncadd.s32 $0xFFFFFF80  }
0xc6: {  	_ =	swait.ge [sflag:s12], $0x80  }
0xc7: {  	[sflag:s12] =	ssyncset.done $0x0  }
0xc8: {  	[sflag:s12] =	ssyncadd.s32 $0xFFFFFF80  }
0xc9: {  	_ =	swait.ge [sflag:s12], $0x80  }
0xca: {  	[sflag:s12] =	ssyncset.done $0x0  }
0xcb: {  	[sflag:s12] =	ssyncadd.s32 $0xFFFFFF80  }
0xcc: {  	_ =	swait.ge [sflag:s12], $0x80  }
0xcd: {  	[sflag:s12] =	ssyncset.done $0x0  }
0xce: {  	[sflag:s12] =	ssyncadd.s32 $0xFFFFFF80  }
0xcf: {  	_ =	swait.ge [sflag:s12], $0x80  }
0xd0: {  	[sflag:s12] =	ssyncset.done $0x0  }
0xd1: {  	[sflag:s12] =	ssyncadd.s32 $0xFFFFFF80  }
0xd2: {  	_ =	swait.ge [sflag:s12], $0x80  }
0xd3: {  	[sflag:s12] =	ssyncset.done $0x0  }
0xd4: {  	[sflag:s12] =	ssyncadd.s32 $0xFFFFFF80  }
0xd5: {  	_ =	swait.ge [sflag:s12], $0x80  }
0xd6: {  	s18 =	simm.s32 $0x2000;
	s17 =	simm.s32 $0x400;
	[sflag:s12] =	ssyncset.done $0x0  }
.LBB2_4:
0xd7: {  	s16 =	sadd.s32 $0x11380, s17  }
0xd8: {  	s19 =	sadd.s32 $0xC380, s17;
	[sflag:s12] =	ssyncadd.s32 $0xFFFFFF80;
	s15 =	smov.u32 s18  }
0xd9: {  	[tilespmem:s16], [sflag:$0x1] =	stream.indirect.gather [hbm4b:s4+s11], $0x1, s19, s11, $0xb8;
	[tilespmem:$0x18C80] =	vst v63  }
0xda: {  	s20 =	sadd.s32 $0xEB80, s17;
	s16 =	sadd.s32 $0x1000, s18;
	s19 =	sadd.s32 $0x13B80, s17  }
0xdb: {  	[tilespmem:s19], [sflag:$0x1] =	stream.indirect.gather [hbm4b:s4+s11], $0x1, s20, s11, $0xb8;
	[tilespmem:$0x18C80] =	vst v63  }
0xdc: {  	p3 =	sne.s32 s18, $0x9000;
	s18 =	sadd.s32 $0x11400, s17;
	s19 =	sadd.s32 $0xC400, s17  }
0xdd: {  	[tilespmem:s18], [sflag:$0x1] =	stream.indirect.gather [hbm4b:s4+s11], $0x1, s19, s11, $0xb8;
	[tilespmem:$0x18C80] =	vst v63  }
0xde: {  	s18 =	sadd.s32 $0x13C00, s17;
	s19 =	sadd.s32 $0xEC00, s17  }
0xdf: {  	[tilespmem:s18], [sflag:$0x1] =	stream.indirect.gather [hbm4b:s4+s11], $0x1, s19, s11, $0xb8;
	[tilespmem:$0x18C80] =	vst v63  }
0xe0: {  	s18 =	sadd.s32 $0x11480, s17;
	s19 =	sadd.s32 $0xC480, s17  }
0xe1: {  	[tilespmem:s18], [sflag:$0x1] =	stream.indirect.gather [hbm4b:s4+s11], $0x1, s19, s11, $0xb8;
	[tilespmem:$0x18C80] =	vst v63  }
0xe2: {  	s18 =	sadd.s32 $0x13C80, s17;
	s19 =	sadd.s32 $0xEC80, s17  }
0xe3: {  	[tilespmem:s18], [sflag:$0x1] =	stream.indirect.gather [hbm4b:s4+s11], $0x1, s19, s11, $0xb8;
	[tilespmem:$0x18C80] =	vst v63  }
0xe4: {  	s18 =	sadd.s32 $0x11500, s17;
	s19 =	sadd.s32 $0xC500, s17  }
0xe5: {  	[tilespmem:s18], [sflag:$0x1] =	stream.indirect.gather [hbm4b:s4+s11], $0x1, s19, s11, $0xb8;
	[tilespmem:$0x18C80] =	vst v63  }
0xe6: {  	s18 =	sadd.s32 $0x13D00, s17;
	s19 =	sadd.s32 $0xED00, s17  }
0xe7: {  	[tilespmem:s18], [sflag:$0x1] =	stream.indirect.gather [hbm4b:s4+s11], $0x1, s19, s11, $0xb8;
	[tilespmem:$0x18C80] =	vst v63  }
0xe8: {  	s18 =	sadd.s32 $0x11580, s17;
	s19 =	sadd.s32 $0xC580, s17  }
0xe9: {  	[tilespmem:s18], [sflag:$0x1] =	stream.indirect.gather [hbm4b:s4+s11], $0x1, s19, s11, $0xb8;
	[tilespmem:$0x18C80] =	vst v63  }
0xea: {  	s18 =	sadd.s32 $0x13D80, s17;
	s19 =	sadd.s32 $0xED80, s17  }
0xeb: {  	[tilespmem:s18], [sflag:$0x1] =	stream.indirect.gather [hbm4b:s4+s11], $0x1, s19, s11, $0xb8;
	[tilespmem:$0x18C80] =	vst v63  }
0xec: {  	s18 =	sadd.s32 $0x11600, s17;
	s19 =	sadd.s32 $0xC600, s17  }
0xed: {  	[tilespmem:s18], [sflag:$0x1] =	stream.indirect.gather [hbm4b:s4+s11], $0x1, s19, s11, $0xb8;
	[tilespmem:$0x18C80] =	vst v63  }
0xee: {  	s18 =	sadd.s32 $0x13E00, s17;
	s19 =	sadd.s32 $0xEE00, s17  }
0xef: {  	[tilespmem:s18], [sflag:$0x1] =	stream.indirect.gather [hbm4b:s4+s11], $0x1, s19, s11, $0xb8;
	[tilespmem:$0x18C80] =	vst v63  }
0xf0: {  	s18 =	sadd.s32 $0x11680, s17;
	s19 =	sadd.s32 $0xC680, s17  }
0xf1: {  	[tilespmem:s18], [sflag:$0x1] =	stream.indirect.gather [hbm4b:s4+s11], $0x1, s19, s11, $0xb8;
	[tilespmem:$0x18C80] =	vst v63  }
0xf2: {  	s18 =	sadd.s32 $0x13E80, s17;
	s19 =	sadd.s32 $0xEE80, s17  }
0xf3: {  	[tilespmem:s18], [sflag:$0x1] =	stream.indirect.gather [hbm4b:s4+s11], $0x1, s19, s11, $0xb8;
	[tilespmem:$0x18C80] =	vst v63  }
0xf4: {  	s18 =	sadd.s32 $0x11700, s17;
	s19 =	sadd.s32 $0xC700, s17  }
0xf5: {  	[tilespmem:s18], [sflag:$0x1] =	stream.indirect.gather [hbm4b:s4+s11], $0x1, s19, s11, $0xb8;
	[tilespmem:$0x18C80] =	vst v63  }
0xf6: {  	s18 =	sadd.s32 $0x13F00, s17;
	s17 =	sadd.s32 $0xEF00, s17  }
0xf7: {  	[tilespmem:s18], [sflag:$0x1] =	stream.indirect.gather [hbm4b:s4+s11], $0x1, s17, s11, $0xb8;
	[tilespmem:$0x18C80] =	vst v63  }
0xf8: {  	_ =	swait.ge [sflag:s12], $0x80  }
0xf9: {  	[sflag:s12] =	ssyncset.done $0x0  }
0xfa: {  	[sflag:s12] =	ssyncadd.s32 $0xFFFFFF80  }
0xfb: {  	_ =	swait.ge [sflag:s12], $0x80  }
0xfc: {  	[sflag:s12] =	ssyncset.done $0x0  }
0xfd: {  	[sflag:s12] =	ssyncadd.s32 $0xFFFFFF80  }
0xfe: {  	_ =	swait.ge [sflag:s12], $0x80  }
0xff: {  	[sflag:s12] =	ssyncset.done $0x0  }
0x100: {  	[sflag:s12] =	ssyncadd.s32 $0xFFFFFF80  }
0x101: {  	_ =	swait.ge [sflag:s12], $0x80  }
0x102: {  	[sflag:s12] =	ssyncset.done $0x0  }
0x103: {  	[sflag:s12] =	ssyncadd.s32 $0xFFFFFF80  }
0x104: {  	_ =	swait.ge [sflag:s12], $0x80  }
0x105: {  	[sflag:s12] =	ssyncset.done $0x0  }
0x106: {  	[sflag:s12] =	ssyncadd.s32 $0xFFFFFF80  }
0x107: {  	_ =	swait.ge [sflag:s12], $0x80  }
0x108: {  	[sflag:s12] =	ssyncset.done $0x0  }
0x109: {  	[sflag:s12] =	ssyncadd.s32 $0xFFFFFF80  }
0x10a: {  	_ =	swait.ge [sflag:s12], $0x80  }
0x10b: {  	[sflag:s12] =	ssyncset.done $0x0  }
0x10c: {  	[sflag:s12] =	ssyncadd.s32 $0xFFFFFF80  }
0x10d: {  	_ =	swait.ge [sflag:s12], $0x80  }
0x10e: {  	[sflag:s12] =	ssyncset.done $0x0  }
0x10f: {  	[sflag:s12] =	ssyncadd.s32 $0xFFFFFF80  }
0x110: {  	_ =	swait.ge [sflag:s12], $0x80  }
0x111: {  	[sflag:s12] =	ssyncset.done $0x0  }
0x112: {  	[sflag:s12] =	ssyncadd.s32 $0xFFFFFF80  }
0x113: {  	_ =	swait.ge [sflag:s12], $0x80  }
0x114: {  	[sflag:s12] =	ssyncset.done $0x0  }
0x115: {  	[sflag:s12] =	ssyncadd.s32 $0xFFFFFF80  }
0x116: {  	_ =	swait.ge [sflag:s12], $0x80  }
0x117: {  	[sflag:s12] =	ssyncset.done $0x0  }
0x118: {  	[sflag:s12] =	ssyncadd.s32 $0xFFFFFF80  }
0x119: {  	_ =	swait.ge [sflag:s12], $0x80  }
0x11a: {  	[sflag:s12] =	ssyncset.done $0x0  }
0x11b: {  	[sflag:s12] =	ssyncadd.s32 $0xFFFFFF80  }
0x11c: {  	_ =	swait.ge [sflag:s12], $0x80  }
0x11d: {  	[sflag:s12] =	ssyncset.done $0x0  }
0x11e: {  	[sflag:s12] =	ssyncadd.s32 $0xFFFFFF80  }
0x11f: {  	_ =	swait.ge [sflag:s12], $0x80  }
0x120: {  	[sflag:s12] =	ssyncset.done $0x0  }
0x121: {  	[sflag:s12] =	ssyncadd.s32 $0xFFFFFF80  }
.Ltmp1:
0x122: {  	_ =	swait.ge [sflag:s12], $0x80;
	(pc) =	sbr.rel @p3 .LBB2_4-.Ltmp1, $4  }
0x123: {  	[sflag:s12] =	ssyncset.done $0x0  }
0x124: {  	[sflag:s12] =	ssyncadd.s32 $0xFFFFFF80  }
0x125: {  	_ =	swait.ge [sflag:s12], $0x80  }
0x126: {  	s17 =	sshra.s32 s15, $0x2;
	s18 =	smov.u32 s16;
	[sflag:s12] =	ssyncset.done $0x0  }
0x127: {  	s15 =	sadd.s32 $0x11380, s17;
	s16 =	sadd.s32 $0xC380, s17;
	[sflag:s12] =	ssyncadd.s32 $0xFFFFFF80  }
0x128: {  	[tilespmem:s15], [sflag:$0x1] =	stream.indirect.gather [hbm4b:s4+s11], $0x1, s16, s11, $0xb8;
	[tilespmem:$0x18C80] =	vst v63  }
0x129: {  	s28 =	sadd.s32 $0x13B80, s17;
	s29 =	sadd.s32 $0xEB80, s17  }
0x12a: {  	[tilespmem:s28], [sflag:$0x1] =	stream.indirect.gather [hbm4b:s4+s11], $0x1, s29, s11, $0xb8;
	[tilespmem:$0x18C80] =	vst v63  }
0x12b: {  	s30 =	sadd.s32 $0x11400, s17;
	s31 =	sadd.s32 $0xC400, s17  }
0x12c: {  	[tilespmem:s30], [sflag:$0x1] =	stream.indirect.gather [hbm4b:s4+s11], $0x1, s31, s11, $0xb8;
	[tilespmem:$0x18C80] =	vst v63  }
0x12d: {  	s18 =	sadd.s32 $0xEC00, s17;
	s16 =	sadd.s32 $0x13C00, s17  }
0x12e: {  	[tilespmem:s16], [sflag:$0x1] =	stream.indirect.gather [hbm4b:s4+s11], $0x1, s18, s11, $0xb8;
	[tilespmem:$0x18C80] =	vst v63  }
0x12f: {  	s19 =	sadd.s32 $0x11480, s17;
	s20 =	sadd.s32 $0xC480, s17  }
0x130: {  	[tilespmem:s19], [sflag:$0x1] =	stream.indirect.gather [hbm4b:s4+s11], $0x1, s20, s11, $0xb8;
	[tilespmem:$0x18C80] =	vst v63  }
0x131: {  	s21 =	sadd.s32 $0x13C80, s17;
	s22 =	sadd.s32 $0xEC80, s17  }
0x132: {  	[tilespmem:s21], [sflag:$0x1] =	stream.indirect.gather [hbm4b:s4+s11], $0x1, s22, s11, $0xb8;
	[tilespmem:$0x18C80] =	vst v63  }
0x133: {  	s23 =	sadd.s32 $0x11500, s17;
	s24 =	sadd.s32 $0xC500, s17  }
0x134: {  	[tilespmem:s23], [sflag:$0x1] =	stream.indirect.gather [hbm4b:s4+s11], $0x1, s24, s11, $0xb8;
	[tilespmem:$0x18C80] =	vst v63  }
0x135: {  	s25 =	sadd.s32 $0x13D00, s17;
	s26 =	sadd.s32 $0xED00, s17  }
0x136: {  	[tilespmem:s25], [sflag:$0x1] =	stream.indirect.gather [hbm4b:s4+s11], $0x1, s26, s11, $0xb8;
	[tilespmem:$0x18C80] =	vst v63  }
0x137: {  	s28 =	sadd.s32 $0x11580, s17;
	s29 =	sadd.s32 $0xC580, s17  }
0x138: {  	[tilespmem:s28], [sflag:$0x1] =	stream.indirect.gather [hbm4b:s4+s11], $0x1, s29, s11, $0xb8;
	[tilespmem:$0x18C80] =	vst v63  }
0x139: {  	s30 =	sadd.s32 $0x13D80, s17;
	s31 =	sadd.s32 $0xED80, s17  }
0x13a: {  	[tilespmem:s30], [sflag:$0x1] =	stream.indirect.gather [hbm4b:s4+s11], $0x1, s31, s11, $0xb8;
	[tilespmem:$0x18C80] =	vst v63  }
0x13b: {  	s18 =	sadd.s32 $0x11600, s17;
	s19 =	sadd.s32 $0xC600, s17  }
0x13c: {  	[tilespmem:s18], [sflag:$0x1] =	stream.indirect.gather [hbm4b:s4+s11], $0x1, s19, s11, $0xb8;
	[tilespmem:$0x18C80] =	vst v63  }
0x13d: {  	s20 =	sadd.s32 $0x13E00, s17;
	s21 =	sadd.s32 $0xEE00, s17  }
0x13e: {  	[tilespmem:s20], [sflag:$0x1] =	stream.indirect.gather [hbm4b:s4+s11], $0x1, s21, s11, $0xb8;
	[tilespmem:$0x18C80] =	vst v63  }
0x13f: {  	s22 =	sadd.s32 $0x11680, s17;
	s23 =	sadd.s32 $0xC680, s17  }
0x140: {  	[tilespmem:s22], [sflag:$0x1] =	stream.indirect.gather [hbm4b:s4+s11], $0x1, s23, s11, $0xb8;
	[tilespmem:$0x18C80] =	vst v63  }
0x141: {  	s24 =	sadd.s32 $0x13E80, s17;
	s25 =	sadd.s32 $0xEE80, s17  }
0x142: {  	[tilespmem:s24], [sflag:$0x1] =	stream.indirect.gather [hbm4b:s4+s11], $0x1, s25, s11, $0xb8;
	[tilespmem:$0x18C80] =	vst v63  }
0x143: {  	s26 =	sadd.s32 $0x11700, s17;
	s28 =	sadd.s32 $0xC700, s17  }
0x144: {  	[tilespmem:s26], [sflag:$0x1] =	stream.indirect.gather [hbm4b:s4+s11], $0x1, s28, s11, $0xb8;
	[tilespmem:$0x18C80] =	vst v63  }
0x145: {  	s29 =	sadd.s32 $0x13F00, s17;
	s30 =	sadd.s32 $0xEF00, s17  }
0x146: {  	[tilespmem:s29], [sflag:$0x1] =	stream.indirect.gather [hbm4b:s4+s11], $0x1, s30, s11, $0xb8;
	[tilespmem:$0x18C80] =	vst v63  }
0x147: {  	_ =	swait.ge [sflag:s12], $0x80  }
0x148: {  	[sflag:s12] =	ssyncset.done $0x0  }
0x149: {  	[sflag:s12] =	ssyncadd.s32 $0xFFFFFF80  }
0x14a: {  	_ =	swait.ge [sflag:s12], $0x80  }
0x14b: {  	[sflag:s12] =	ssyncset.done $0x0  }
0x14c: {  	[sflag:s12] =	ssyncadd.s32 $0xFFFFFF80  }
0x14d: {  	_ =	swait.ge [sflag:s12], $0x80  }
0x14e: {  	[sflag:s12] =	ssyncset.done $0x0  }
0x14f: {  	[sflag:s12] =	ssyncadd.s32 $0xFFFFFF80  }
0x150: {  	_ =	swait.ge [sflag:s12], $0x80  }
0x151: {  	[sflag:s12] =	ssyncset.done $0x0  }
0x152: {  	[sflag:s12] =	ssyncadd.s32 $0xFFFFFF80  }
0x153: {  	_ =	swait.ge [sflag:s12], $0x80  }
0x154: {  	[sflag:s12] =	ssyncset.done $0x0  }
0x155: {  	[sflag:s12] =	ssyncadd.s32 $0xFFFFFF80  }
0x156: {  	_ =	swait.ge [sflag:s12], $0x80  }
0x157: {  	[sflag:s12] =	ssyncset.done $0x0  }
0x158: {  	[sflag:s12] =	ssyncadd.s32 $0xFFFFFF80  }
0x159: {  	_ =	swait.ge [sflag:s12], $0x80  }
0x15a: {  	[sflag:s12] =	ssyncset.done $0x0  }
0x15b: {  	[sflag:s12] =	ssyncadd.s32 $0xFFFFFF80  }
0x15c: {  	_ =	swait.ge [sflag:s12], $0x80  }
0x15d: {  	[sflag:s12] =	ssyncset.done $0x0  }
0x15e: {  	[sflag:s12] =	ssyncadd.s32 $0xFFFFFF80  }
0x15f: {  	_ =	swait.ge [sflag:s12], $0x80  }
0x160: {  	[sflag:s12] =	ssyncset.done $0x0  }
0x161: {  	[sflag:s12] =	ssyncadd.s32 $0xFFFFFF80  }
0x162: {  	_ =	swait.ge [sflag:s12], $0x80  }
0x163: {  	[sflag:s12] =	ssyncset.done $0x0  }
0x164: {  	[sflag:s12] =	ssyncadd.s32 $0xFFFFFF80  }
0x165: {  	_ =	swait.ge [sflag:s12], $0x80  }
0x166: {  	[sflag:s12] =	ssyncset.done $0x0  }
0x167: {  	[sflag:s12] =	ssyncadd.s32 $0xFFFFFF80  }
0x168: {  	_ =	swait.ge [sflag:s12], $0x80  }
0x169: {  	[sflag:s12] =	ssyncset.done $0x0  }
0x16a: {  	[sflag:s12] =	ssyncadd.s32 $0xFFFFFF80  }
0x16b: {  	_ =	swait.ge [sflag:s12], $0x80  }
0x16c: {  	[sflag:s12] =	ssyncset.done $0x0  }
0x16d: {  	[sflag:s12] =	ssyncadd.s32 $0xFFFFFF80  }
0x16e: {  	_ =	swait.ge [sflag:s12], $0x80  }
0x16f: {  	[sflag:s12] =	ssyncset.done $0x0  }
0x170: {  	[sflag:s12] =	ssyncadd.s32 $0xFFFFFF80  }
0x171: {  	_ =	swait.ge [sflag:s12], $0x80  }
0x172: {  	[sflag:s12] =	ssyncset.done $0x0  }
0x173: {  	[sflag:s12] =	ssyncadd.s32 $0xFFFFFF80  }
0x174: {  	_ =	swait.ge [sflag:s12], $0x80  }
0x175: {  	[sflag:s12] =	ssyncset.done $0x0  }
0x176: {  	s31 =	simm.s32 $0x0;
	[sflag:s12] =	ssyncadd.s32 $0xFFFFFF80  }
0x177: {  	v9 =	vld [tilespmem:s31+$0x11380]  }
0x178: {  	v10 =	vld [tilespmem:s31+$0x13B80];
	_ =	sdelay $0x3  }
0x179: {  	s15 =	simm.s32 $0x10  }
0x17a: {  	v12 =	vld [tilespmem:s15+$0x11380];
	v11 =	vsub.f32 v9, v10  }
0x17b: {  	v13 =	vld [tilespmem:s15+$0x13B80]  }
0x17c: {  	v9 =	vimm.f32 $0.0e+00;
	v10 =	vld [tilespmem:s31+$0x16380];
	v15 =	vand.u32 $0x7FFFFFFF, v11  }
0x17d: {  	s16 =	simm.s32 $0x80;
	v14 =	vsub.f32 $2.500000000e-01, v11;
	v11 =	vimm.f32 $0.0e+00;
	v15 =	vadd.f32 $-1.000000010e-01, v15  }
.LBB2_6:
0x17e: {  	p3 =	sne.s32 s16, $0x9FC0  }
.Ltmp2:
0x17f: {  	s17 =	sshra.s32 s16, $0x2;
	v14 =	vmax.f32 v14, $0.0e+00;
	v15 =	vmax.f32 v15, $0.0e+00;
	(pc) =	sbr.rel @p3 .LBB2_6-.Ltmp2, $4  }
0x180: {  	s16 =	sadd.s32 $0x40, s16;
	v16 =	vsub.f32 v12, v13;
	v12 =	vld [tilespmem:s17+$0x11380];
	v14 =	vpsel p1, v15, v14  }
0x181: {  	v13 =	vld [tilespmem:s17+$0x13B80];
	v17 =	vmul.f32 v14, v10;
	v9 =	vadd.f32 v10, v9  }
0x182: {  	v10 =	vld [tilespmem:s15+$0x16380];
	v15 =	vand.u32 $0x7FFFFFFF, v16;
	v14 =	vsub.f32 $2.500000000e-01, v16;
	s15 =	smov.u32 s17  }
0x183: {  	v15 =	vadd.f32 $-1.000000010e-01, v15;
	v11 =	vadd.f32 v17, v11  }
0x184: {  	_ =	sdelay $0x1  }
0x185: {  	v12 =	vsub.f32 v12, v13;
	_ =	sdelay $0x1  }
0x186: {  	v62 =	vld [tilespmem:s15+$0x16380];
	v14 =	vmax.f32 v14, $0.0e+00;
	v16 =	vand.u32 $0x7FFFFFFF, v12  }
0x187: {  	v61 =	vmax.f32 v15, $0.0e+00;
	v12 =	vsub.f32 $2.500000000e-01, v12;
	v16 =	vadd.f32 $-1.000000010e-01, v16  }
0x188: {  	v13 =	vpsel p1, v61, v14  }
0x189: {  	v13 =	vmul.f32 v13, v10;
	v12 =	vmax.f32 v12, $0.0e+00;
	v63 =	vmax.f32 v16, $0.0e+00  }
0x18a: {  	v12 =	vpsel p1, v63, v12  }
0x18b: {  	v11 =	vadd.f32 v13, v11;
	v12 =	vmul.f32 v12, v62  }
0x18c: {  	v9 =	vadd.f32 v10, v9  }
0x18d: {  	v10 =	vadd.f32 v12, v11  }
0x18e: {  	v9 =	vadd.f32 v62, v9  }
0x18f: {  	(xrf2) =	vadd.scan.msk.f32 $0xffff, v10  }
0x190: {  	(xrf2) =	vadd.scan.msk.f32 $0xffff, v9;
	_ =	sdelay $0x8  }
0x191: {  	v9, _, _ =	vpop (xrf2)  }
0x192: {  	v10, _, _ =	vpop (xrf2)  }
0x193: {  	v10 =	vbroadcast v10, $0xF  }
0x194: {  	v9 =	vbroadcast v9, $0xF  }
0x195: {  	s14 =	sadd.s32 $0x1, s14;
	v10 =	vnsel vm0, $0x0, v10  }
0x196: {  	p3 =	sne.s32 s14, s8;
	v9 =	vsel vm1, v10, v9  }
.Ltmp3:
0x197: {  	[tilespmem:$0x18C00] =	vst v9;
	(pc) =	sbr.rel @p3 .LBB2_1-.Ltmp3, $4  }
0x198: {  	[hbm4b:s7+s3] =	stream.linear.scatter [tilespmem:s13], [sflag:$0x2], $0x80, $0x38;
	[tilespmem:$0x18C80] =	vst v63  }
0x199: {  	_ =	swait.ge [sflag:s10], $0x80  }
0x19a: {  	[sflag:s10] =	ssyncset.done $0x0  }
0x19b: {  	[sflag:s10] =	ssyncadd.s32 $0xFFFFFF80  }
0x19c: {  	_ =	sfence.sel $0x180000  }
0x19d: {  	[bflag:$0x0] =	sbarrier.arrive $0xFFFF  }
0x19e: {  	p0 =	sne.s32 s0, $0x0;
	_ =	strace $0x90000047  }
0x19f: {  	s0 =	sadd.s32 @!p0 $0x100000, s1;
	[bflag:$0x2] =	sbarrier.arrive $0xFFFF  }
0x1a0: {  	[sflag:s0] =	ssyncadd.tile.s32 @!p0 $0x1;
	_ =	shalt  }
.Lfunc_end2:
_tile_overlayer_lowered:
.L_overlay_start_2:
0x1a1: {  	(tag) =	ssettag $0x2  }
0x1a2: {  	s0 =	rddreg [dreg:$0x0];
	s2 =	stileid.u32  }
0x1a3: {  	s1 =	rddreg [dreg:$0x1];
	p0 =	sne.s32 s2, $0x0  }
0x1a4: {  	s3 =	rddreg [dreg:$0x2];
	[bflag:$0x3] =	sbarrier.arrive $0xFFFF;
	s2 =	simm.s32 @!p0 $0x1C02  }
0x1a5: {  	[timem:s3], [sflag:s2] =	dma.local @!p0 [hbm:s0], s1  }
0x1a6: {  	s0 =	simm.s32 @!p0 $0x2  }
0x1a7: {  	_ =	swait.ge @!p0 [sflag:s0], s1  }
0x1a8: {  	s1 =	ssub.s32 @!p0 $0x0, s1;
	[sflag:s0] =	ssyncset.done @!p0 $0x0  }
0x1a9: {  	[sflag:s0] =	ssyncadd.s32 @!p0 s1  }
0x1aa: {  	[bflag:$0x3] =	sbarrier.arrive $0xFFFF  }
0x1ab: {  	_ =	shalt  }

</sc_bundles>
